<compile_context>
chip_gen: v7x
topology: tpu7x:2x2x1
jax: 0.10.2.dev20260603
libtpu: 0.0.44.dev20260713+nightly
codegen_flags: <defaults>
</compile_context>

<pallas_src>
import jax
import jax.numpy as jnp
from jax import lax
from jax.experimental import pallas as pl
from jax.experimental.pallas import tpu as pltpu
from jax.experimental.pallas import tpu_sc as plsc

BATCH = 16384
N_FEAT = 39
TOTAL = BATCH * N_FEAT
NUM_WORKERS = 32
CHUNK = TOTAL // NUM_WORKERS
LANES = 16
UNROLL = 8
N_STEPS = CHUNK // (LANES * UNROLL)


def _encode_vec(v, col):
    is_cat = col >= 13
    vi = v.astype(jnp.int32).astype(jnp.float32)
    ok = (vi == v) & (v >= 0.0) & (v <= 15.0)
    return jnp.where(is_cat, jnp.where(ok, v + 1.0, 0.0), v)


def _sc_body(in_hbm, out_hbm, buf):
    wid = lax.axis_index("s") * 2 + lax.axis_index("c")
    base = wid * CHUNK
    pltpu.sync_copy(in_hbm.at[pl.ds(base, CHUNK)], buf)

    iota = lax.iota(jnp.int32, LANES)

    def step(j, carry):
        for k in range(UNROLL):
            off = (j * UNROLL + k) * LANES
            v = buf[pl.ds(off, LANES)]
            col = (base + off + iota) % N_FEAT
            buf[pl.ds(off, LANES)] = _encode_vec(v, col)
        return carry

    lax.fori_loop(0, N_STEPS, step, 0)
    pltpu.sync_copy(buf, out_hbm.at[pl.ds(base, CHUNK)])


@jax.jit
def _sc_encode(flat):
    k = pl.kernel(
        _sc_body,
        out_type=jax.ShapeDtypeStruct((TOTAL,), jnp.float32),
        mesh=plsc.VectorSubcoreMesh(core_axis_name="c", subcore_axis_name="s"),
        scratch_types=[pltpu.VMEM((CHUNK,), jnp.float32)],
    )
    return k(flat)


def kernel(inputs):
    flat = inputs.reshape(TOTAL)
    return _sc_encode(flat).reshape(BATCH, N_FEAT)

# --- scband reference (transcript-rebuilt; emitter-appended) ---
"""Pipeline reference for scband-label-encoding-26259430048024 (READ-ONLY COPY).

The authoritative reference and input builder live on the scoring server;
editing this copy changes nothing except your own understanding.
"""

import jax, jax.numpy as jnp
import numpy as np

BATCH = 16384
N_FEATURES = 39
CAT_IDX = list(range(13, 39))
NUM_IDX = list(range(0, 13))
# IntegerLookup vocabulary for each categorical feature (mask_token=None, num_oov_indices=1):
# value found at position p in vocab -> index p+1; value not in vocab -> 0 (OOV)
VOCABS = [np.arange(16, dtype=np.float32) for _ in range(len(CAT_IDX))]


def setup_inputs(seed: int = 0) -> dict:
    key = jax.random.key(seed)
    inputs = jax.random.randint(key, (BATCH, N_FEATURES), 0, 16).astype(jnp.float32)
    return {"inputs": inputs}


def _label_encode(inputs):
    cols = [None] * N_FEATURES
    # categorical features: IntegerLookup semantics (vocab position + 1, OOV -> 0)
    for j, fidx in enumerate(CAT_IDX):
        vals = inputs[:, fidx]
        vocab = jnp.asarray(VOCABS[j])
        matches = vals[:, None] == vocab[None, :]
        pos = jnp.argmax(matches, axis=1)
        found = jnp.any(matches, axis=1)
        enc = jnp.where(found, (pos + 1).astype(jnp.float32), jnp.float32(0.0))
        cols[fidx] = enc
    # numerical features passed through (concatenate_numerical_features=True, keep_features_order=True)
    for fidx in NUM_IDX:
        cols[fidx] = inputs[:, fidx].astype(jnp.float32)
    # TF: TensorArray.stack -> squeeze -> transpose == stack along axis=1
    return jnp.stack(cols, axis=1)


def reference(inputs):
    return _label_encode(inputs)

if __name__ == "__main__":
    import jax
    _d = setup_inputs()
    print(jax.jit(kernel)(*tuple(_d.values())))

</pallas_src>

<mosaic_0001>
#map = affine_map<(d0, d1) -> (0)>
module attributes {stable_mosaic.version = 14 : i64} {
  func.func @_sc_body(%arg0: i32, %arg1: i32, %arg2: memref<638976xf32, #tpu.memory_space<hbm>>, %arg3: memref<638976xf32, #tpu.memory_space<hbm>>, %arg4: memref<19968xf32, #tpu.memory_space<vmem>>) attributes {dimension_semantics = [#tpu.dimension_semantics<core_parallel>, #tpu.dimension_semantics<subcore_parallel>], iteration_bounds = array<i64: 2, 16>, scalar_prefetch = 0 : i64, scratch_operands = 1 : i64, tpu.core_type = #tpu.core_type<sc_vector_subcore>, window_params = [{transform_indices = #map}, {transform_indices = #map}]} {
    %mul3A = arith.constant 2 : i32
    %mul3A_0 = arith.muli %arg1, %mul3A : i32
    %add3A = arith.addi %mul3A_0, %arg0 : i32
    %mul3A_1 = arith.constant 19968 : i32
    %mul3A_2 = arith.muli %add3A, %mul3A_1 : i32
    "tpu.region"() ({
      %run_scoped3A = tpu.sem_alloc : memref<!tpu.dma_semaphore, #tpu.memory_space<semaphore_mem>>
      %dma_start3A = tpu.memref_slice %arg2[%mul3A_2] : memref<638976xf32, #tpu.memory_space<hbm>> -> memref<19968xf32, #tpu.memory_space<hbm>>
      %dma_start3A_8 = tpu.memref_slice %arg2[%mul3A_2] : memref<638976xf32, #tpu.memory_space<hbm>> -> memref<19968xf32, #tpu.memory_space<hbm>>
      tpu.enqueue_dma source(%dma_start3A_8 : memref<19968xf32, #tpu.memory_space<hbm>>) target(%arg4 : memref<19968xf32, #tpu.memory_space<vmem>>) target_semaphore(%run_scoped3A : memref<!tpu.dma_semaphore, #tpu.memory_space<semaphore_mem>>)
      %dma_wait3A = tpu.memref_slice %arg2[%mul3A_2] : memref<638976xf32, #tpu.memory_space<hbm>> -> memref<19968xf32, #tpu.memory_space<hbm>>
      %dma_wait3A_9 = tpu.memref_slice %arg2[%mul3A_2] : memref<638976xf32, #tpu.memory_space<hbm>> -> memref<19968xf32, #tpu.memory_space<hbm>>
      tpu.wait_dma2 semaphore(%run_scoped3A : memref<!tpu.dma_semaphore, #tpu.memory_space<semaphore_mem>>) src(%dma_wait3A_9 : memref<19968xf32, #tpu.memory_space<hbm>>) dst(%arg4 : memref<19968xf32, #tpu.memory_space<vmem>>)
      tpu.yield
    }) : () -> ()
    %iota3A = tpu.iota {dimensions = array<i32: 0>} : vector<16xi32>
    %scan3A = arith.constant 0 : i32
    %scan3A_3 = arith.constant 0 : i32
    %scan3A_4 = arith.constant 156 : i32
    %scan3A_5 = arith.addi %scan3A_3, %scan3A_4 : i32
    %scan3A_6 = arith.constant 1 : i32
    scf.for %scan3A_8 = %scan3A_3 to %scan3A_5 step %scan3A_6  : i32 {
      %mul3A_9 = arith.constant 8 : i32
      %mul3A_10 = arith.muli %scan3A_8, %mul3A_9 : i32
      %add3A_11 = arith.constant 0 : i32
      %add3A_12 = arith.addi %mul3A_10, %add3A_11 : i32
      %mul3A_13 = arith.constant 16 : i32
      %mul3A_14 = arith.muli %add3A_12, %mul3A_13 : i32
      %get3A = arith.index_cast %mul3A_14 : i32 to index
      %get3A_15 = tpu.vector_load %arg4[%get3A] {strides = array<i32>} : memref<19968xf32, #tpu.memory_space<vmem>>, vector<16xf32>,
      %get3A_16 = vector.shape_cast %get3A_15 : vector<16xf32> to vector<16xf32>
      %add3A_17 = arith.addi %mul3A_2, %mul3A_14 : i32
      %add3A_18 = vector.broadcast %add3A_17 : i32 to vector<16xi32>
      %add3A_19 = arith.addi %add3A_18, %iota3A : vector<16xi32>
      %jit3A = arith.constant 39 : i32
      %eq3A = arith.constant 0 : i32
      %eq3A_20 = arith.cmpi eq, %jit3A, %eq3A : i32
      %jit3A_21 = arith.constant 1 : i32
      %select_n3A = arith.select %eq3A_20, %jit3A_21, %jit3A : i32
      %rem3A = vector.broadcast %select_n3A : i32 to vector<16xi32>
      %rem3A_22 = arith.remsi %add3A_19, %rem3A : vector<16xi32>
      %ne3A = arith.constant 0 : i32
      %ne3A_23 = vector.broadcast %ne3A : i32 to vector<16xi32>
      %ne3A_24 = arith.cmpi ne, %rem3A_22, %ne3A_23 : vector<16xi32>
      %lt3A = arith.constant 0 : i32
      %lt3A_25 = vector.broadcast %lt3A : i32 to vector<16xi32>
      %lt3A_26 = arith.cmpi slt, %rem3A_22, %lt3A_25 : vector<16xi32>
      %lt3A_27 = arith.constant 0 : i32
      %lt3A_28 = arith.cmpi slt, %select_n3A, %lt3A_27 : i32
      %ne3A_29 = vector.broadcast %lt3A_28 : i1 to vector<16xi1>
      %ne3A_30 = vector.broadcast %ne3A_29 : vector<16xi1> to vector<16xi1>
      %ne3A_31 = arith.xori %lt3A_26, %ne3A_30 : vector<16xi1>
      %and3A = arith.andi %ne3A_31, %ne3A_24 : vector<16xi1>
      %add3A_32 = vector.broadcast %select_n3A : i32 to vector<16xi32>
      %add3A_33 = arith.addi %rem3A_22, %add3A_32 : vector<16xi32>
      %select_n3A_34 = arith.select %and3A, %add3A_33, %rem3A_22 : vector<16xi1>, vector<16xi32>
      %ge3A = arith.constant 13 : i32
      %ge3A_35 = vector.broadcast %ge3A : i32 to vector<16xi32>
      %ge3A_36 = arith.cmpi sge, %select_n3A_34, %ge3A_35 : vector<16xi32>
      %convert_element_type3A = arith.fptosi %get3A_16 : vector<16xf32> to vector<16xi32>
      %convert_element_type3A_37 = arith.sitofp %convert_element_type3A : vector<16xi32> to vector<16xf32>
      %eq3A_38 = arith.cmpf oeq, %convert_element_type3A_37, %get3A_16 : vector<16xf32>
      %ge3A_39 = arith.constant 0.000000e+00 : f32
      %ge3A_40 = vector.broadcast %ge3A_39 : f32 to vector<16xf32>
      %ge3A_41 = arith.cmpf oge, %get3A_16, %ge3A_40 : vector<16xf32>
      %and3A_42 = arith.andi %eq3A_38, %ge3A_41 : vector<16xi1>
      %le3A = arith.constant 1.500000e+01 : f32
      %le3A_43 = vector.broadcast %le3A : f32 to vector<16xf32>
      %le3A_44 = arith.cmpf ole, %get3A_16, %le3A_43 : vector<16xf32>
      %and3A_45 = arith.andi %and3A_42, %le3A_44 : vector<16xi1>
      %add3A_46 = arith.constant 1.000000e+00 : f32
      %add3A_47 = vector.broadcast %add3A_46 : f32 to vector<16xf32>
      %add3A_48 = arith.addf %get3A_16, %add3A_47 : vector<16xf32>
      %jit3A_49 = arith.constant 0.000000e+00 : f32
      %broadcast_in_dim3A = vector.broadcast %jit3A_49 : f32 to vector<16xf32>
      %select_n3A_50 = arith.select %and3A_45, %add3A_48, %broadcast_in_dim3A : vector<16xi1>, vector<16xf32>
      %select_n3A_51 = arith.select %ge3A_36, %select_n3A_50, %get3A_16 : vector<16xi1>, vector<16xf32>
      %swap3A = arith.index_cast %mul3A_14 : i32 to index
      %swap3A_52 = tpu.vector_load %arg4[%swap3A] {strides = array<i32>} : memref<19968xf32, #tpu.memory_space<vmem>>, vector<16xf32>,
      %swap3A_53 = vector.shape_cast %swap3A_52 : vector<16xf32> to vector<16xf32>
      %swap3A_54 = vector.shape_cast %select_n3A_51 : vector<16xf32> to vector<16xf32>
      tpu.vector_store %arg4[%swap3A], %swap3A_54 {strides = array<i32>} : memref<19968xf32, #tpu.memory_space<vmem>>, vector<16xf32>,
      %mul3A_55 = arith.constant 8 : i32
      %mul3A_56 = arith.muli %scan3A_8, %mul3A_55 : i32
      %add3A_57 = arith.constant 1 : i32
      %add3A_58 = arith.addi %mul3A_56, %add3A_57 : i32
      %mul3A_59 = arith.constant 16 : i32
      %mul3A_60 = arith.muli %add3A_58, %mul3A_59 : i32
      %get3A_61 = arith.index_cast %mul3A_60 : i32 to index
      %get3A_62 = tpu.vector_load %arg4[%get3A_61] {strides = array<i32>} : memref<19968xf32, #tpu.memory_space<vmem>>, vector<16xf32>,
      %get3A_63 = vector.shape_cast %get3A_62 : vector<16xf32> to vector<16xf32>
      %add3A_64 = arith.addi %mul3A_2, %mul3A_60 : i32
      %add3A_65 = vector.broadcast %add3A_64 : i32 to vector<16xi32>
      %add3A_66 = arith.addi %add3A_65, %iota3A : vector<16xi32>
      %jit3A_67 = arith.constant 39 : i32
      %eq3A_68 = arith.constant 0 : i32
      %eq3A_69 = arith.cmpi eq, %jit3A_67, %eq3A_68 : i32
      %jit3A_70 = arith.constant 1 : i32
      %select_n3A_71 = arith.select %eq3A_69, %jit3A_70, %jit3A_67 : i32
      %rem3A_72 = vector.broadcast %select_n3A_71 : i32 to vector<16xi32>
      %rem3A_73 = arith.remsi %add3A_66, %rem3A_72 : vector<16xi32>
      %ne3A_74 = arith.constant 0 : i32
      %ne3A_75 = vector.broadcast %ne3A_74 : i32 to vector<16xi32>
      %ne3A_76 = arith.cmpi ne, %rem3A_73, %ne3A_75 : vector<16xi32>
      %lt3A_77 = arith.constant 0 : i32
      %lt3A_78 = vector.broadcast %lt3A_77 : i32 to vector<16xi32>
      %lt3A_79 = arith.cmpi slt, %rem3A_73, %lt3A_78 : vector<16xi32>
      %lt3A_80 = arith.constant 0 : i32
      %lt3A_81 = arith.cmpi slt, %select_n3A_71, %lt3A_80 : i32
      %ne3A_82 = vector.broadcast %lt3A_81 : i1 to vector<16xi1>
      %ne3A_83 = vector.broadcast %ne3A_82 : vector<16xi1> to vector<16xi1>
      %ne3A_84 = arith.xori %lt3A_79, %ne3A_83 : vector<16xi1>
      %and3A_85 = arith.andi %ne3A_84, %ne3A_76 : vector<16xi1>
      %add3A_86 = vector.broadcast %select_n3A_71 : i32 to vector<16xi32>
      %add3A_87 = arith.addi %rem3A_73, %add3A_86 : vector<16xi32>
      %select_n3A_88 = arith.select %and3A_85, %add3A_87, %rem3A_73 : vector<16xi1>, vector<16xi32>
      %ge3A_89 = arith.constant 13 : i32
      %ge3A_90 = vector.broadcast %ge3A_89 : i32 to vector<16xi32>
      %ge3A_91 = arith.cmpi sge, %select_n3A_88, %ge3A_90 : vector<16xi32>
      %convert_element_type3A_92 = arith.fptosi %get3A_63 : vector<16xf32> to vector<16xi32>
      %convert_element_type3A_93 = arith.sitofp %convert_element_type3A_92 : vector<16xi32> to vector<16xf32>
      %eq3A_94 = arith.cmpf oeq, %convert_element_type3A_93, %get3A_63 : vector<16xf32>
      %ge3A_95 = arith.constant 0.000000e+00 : f32
      %ge3A_96 = vector.broadcast %ge3A_95 : f32 to vector<16xf32>
      %ge3A_97 = arith.cmpf oge, %get3A_63, %ge3A_96 : vector<16xf32>
      %and3A_98 = arith.andi %eq3A_94, %ge3A_97 : vector<16xi1>
      %le3A_99 = arith.constant 1.500000e+01 : f32
      %le3A_100 = vector.broadcast %le3A_99 : f32 to vector<16xf32>
      %le3A_101 = arith.cmpf ole, %get3A_63, %le3A_100 : vector<16xf32>
      %and3A_102 = arith.andi %and3A_98, %le3A_101 : vector<16xi1>
      %add3A_103 = arith.constant 1.000000e+00 : f32
      %add3A_104 = vector.broadcast %add3A_103 : f32 to vector<16xf32>
      %add3A_105 = arith.addf %get3A_63, %add3A_104 : vector<16xf32>
      %jit3A_106 = arith.constant 0.000000e+00 : f32
      %broadcast_in_dim3A_107 = vector.broadcast %jit3A_106 : f32 to vector<16xf32>
      %select_n3A_108 = arith.select %and3A_102, %add3A_105, %broadcast_in_dim3A_107 : vector<16xi1>, vector<16xf32>
      %select_n3A_109 = arith.select %ge3A_91, %select_n3A_108, %get3A_63 : vector<16xi1>, vector<16xf32>
      %swap3A_110 = arith.index_cast %mul3A_60 : i32 to index
      %swap3A_111 = tpu.vector_load %arg4[%swap3A_110] {strides = array<i32>} : memref<19968xf32, #tpu.memory_space<vmem>>, vector<16xf32>,
      %swap3A_112 = vector.shape_cast %swap3A_111 : vector<16xf32> to vector<16xf32>
      %swap3A_113 = vector.shape_cast %select_n3A_109 : vector<16xf32> to vector<16xf32>
      tpu.vector_store %arg4[%swap3A_110], %swap3A_113 {strides = array<i32>} : memref<19968xf32, #tpu.memory_space<vmem>>, vector<16xf32>,
      %mul3A_114 = arith.constant 8 : i32
      %mul3A_115 = arith.muli %scan3A_8, %mul3A_114 : i32
      %add3A_116 = arith.constant 2 : i32
      %add3A_117 = arith.addi %mul3A_115, %add3A_116 : i32
      %mul3A_118 = arith.constant 16 : i32
      %mul3A_119 = arith.muli %add3A_117, %mul3A_118 : i32
      %get3A_120 = arith.index_cast %mul3A_119 : i32 to index
      %get3A_121 = tpu.vector_load %arg4[%get3A_120] {strides = array<i32>} : memref<19968xf32, #tpu.memory_space<vmem>>, vector<16xf32>,
      %get3A_122 = vector.shape_cast %get3A_121 : vector<16xf32> to vector<16xf32>
      %add3A_123 = arith.addi %mul3A_2, %mul3A_119 : i32
      %add3A_124 = vector.broadcast %add3A_123 : i32 to vector<16xi32>
      %add3A_125 = arith.addi %add3A_124, %iota3A : vector<16xi32>
      %jit3A_126 = arith.constant 39 : i32
      %eq3A_127 = arith.constant 0 : i32
      %eq3A_128 = arith.cmpi eq, %jit3A_126, %eq3A_127 : i32
      %jit3A_129 = arith.constant 1 : i32
      %select_n3A_130 = arith.select %eq3A_128, %jit3A_129, %jit3A_126 : i32
      %rem3A_131 = vector.broadcast %select_n3A_130 : i32 to vector<16xi32>
      %rem3A_132 = arith.remsi %add3A_125, %rem3A_131 : vector<16xi32>
      %ne3A_133 = arith.constant 0 : i32
      %ne3A_134 = vector.broadcast %ne3A_133 : i32 to vector<16xi32>
      %ne3A_135 = arith.cmpi ne, %rem3A_132, %ne3A_134 : vector<16xi32>
      %lt3A_136 = arith.constant 0 : i32
      %lt3A_137 = vector.broadcast %lt3A_136 : i32 to vector<16xi32>
      %lt3A_138 = arith.cmpi slt, %rem3A_132, %lt3A_137 : vector<16xi32>
      %lt3A_139 = arith.constant 0 : i32
      %lt3A_140 = arith.cmpi slt, %select_n3A_130, %lt3A_139 : i32
      %ne3A_141 = vector.broadcast %lt3A_140 : i1 to vector<16xi1>
      %ne3A_142 = vector.broadcast %ne3A_141 : vector<16xi1> to vector<16xi1>
      %ne3A_143 = arith.xori %lt3A_138, %ne3A_142 : vector<16xi1>
      %and3A_144 = arith.andi %ne3A_143, %ne3A_135 : vector<16xi1>
      %add3A_145 = vector.broadcast %select_n3A_130 : i32 to vector<16xi32>
      %add3A_146 = arith.addi %rem3A_132, %add3A_145 : vector<16xi32>
      %select_n3A_147 = arith.select %and3A_144, %add3A_146, %rem3A_132 : vector<16xi1>, vector<16xi32>
      %ge3A_148 = arith.constant 13 : i32
      %ge3A_149 = vector.broadcast %ge3A_148 : i32 to vector<16xi32>
      %ge3A_150 = arith.cmpi sge, %select_n3A_147, %ge3A_149 : vector<16xi32>
      %convert_element_type3A_151 = arith.fptosi %get3A_122 : vector<16xf32> to vector<16xi32>
      %convert_element_type3A_152 = arith.sitofp %convert_element_type3A_151 : vector<16xi32> to vector<16xf32>
      %eq3A_153 = arith.cmpf oeq, %convert_element_type3A_152, %get3A_122 : vector<16xf32>
      %ge3A_154 = arith.constant 0.000000e+00 : f32
      %ge3A_155 = vector.broadcast %ge3A_154 : f32 to vector<16xf32>
      %ge3A_156 = arith.cmpf oge, %get3A_122, %ge3A_155 : vector<16xf32>
      %and3A_157 = arith.andi %eq3A_153, %ge3A_156 : vector<16xi1>
      %le3A_158 = arith.constant 1.500000e+01 : f32
      %le3A_159 = vector.broadcast %le3A_158 : f32 to vector<16xf32>
      %le3A_160 = arith.cmpf ole, %get3A_122, %le3A_159 : vector<16xf32>
      %and3A_161 = arith.andi %and3A_157, %le3A_160 : vector<16xi1>
      %add3A_162 = arith.constant 1.000000e+00 : f32
      %add3A_163 = vector.broadcast %add3A_162 : f32 to vector<16xf32>
      %add3A_164 = arith.addf %get3A_122, %add3A_163 : vector<16xf32>
      %jit3A_165 = arith.constant 0.000000e+00 : f32
      %broadcast_in_dim3A_166 = vector.broadcast %jit3A_165 : f32 to vector<16xf32>
      %select_n3A_167 = arith.select %and3A_161, %add3A_164, %broadcast_in_dim3A_166 : vector<16xi1>, vector<16xf32>
      %select_n3A_168 = arith.select %ge3A_150, %select_n3A_167, %get3A_122 : vector<16xi1>, vector<16xf32>
      %swap3A_169 = arith.index_cast %mul3A_119 : i32 to index
      %swap3A_170 = tpu.vector_load %arg4[%swap3A_169] {strides = array<i32>} : memref<19968xf32, #tpu.memory_space<vmem>>, vector<16xf32>,
      %swap3A_171 = vector.shape_cast %swap3A_170 : vector<16xf32> to vector<16xf32>
      %swap3A_172 = vector.shape_cast %select_n3A_168 : vector<16xf32> to vector<16xf32>
      tpu.vector_store %arg4[%swap3A_169], %swap3A_172 {strides = array<i32>} : memref<19968xf32, #tpu.memory_space<vmem>>, vector<16xf32>,
      %mul3A_173 = arith.constant 8 : i32
      %mul3A_174 = arith.muli %scan3A_8, %mul3A_173 : i32
      %add3A_175 = arith.constant 3 : i32
      %add3A_176 = arith.addi %mul3A_174, %add3A_175 : i32
      %mul3A_177 = arith.constant 16 : i32
      %mul3A_178 = arith.muli %add3A_176, %mul3A_177 : i32
      %get3A_179 = arith.index_cast %mul3A_178 : i32 to index
      %get3A_180 = tpu.vector_load %arg4[%get3A_179] {strides = array<i32>} : memref<19968xf32, #tpu.memory_space<vmem>>, vector<16xf32>,
      %get3A_181 = vector.shape_cast %get3A_180 : vector<16xf32> to vector<16xf32>
      %add3A_182 = arith.addi %mul3A_2, %mul3A_178 : i32
      %add3A_183 = vector.broadcast %add3A_182 : i32 to vector<16xi32>
      %add3A_184 = arith.addi %add3A_183, %iota3A : vector<16xi32>
      %jit3A_185 = arith.constant 39 : i32
      %eq3A_186 = arith.constant 0 : i32
      %eq3A_187 = arith.cmpi eq, %jit3A_185, %eq3A_186 : i32
      %jit3A_188 = arith.constant 1 : i32
      %select_n3A_189 = arith.select %eq3A_187, %jit3A_188, %jit3A_185 : i32
      %rem3A_190 = vector.broadcast %select_n3A_189 : i32 to vector<16xi32>
      %rem3A_191 = arith.remsi %add3A_184, %rem3A_190 : vector<16xi32>
      %ne3A_192 = arith.constant 0 : i32
      %ne3A_193 = vector.broadcast %ne3A_192 : i32 to vector<16xi32>
      %ne3A_194 = arith.cmpi ne, %rem3A_191, %ne3A_193 : vector<16xi32>
      %lt3A_195 = arith.constant 0 : i32
      %lt3A_196 = vector.broadcast %lt3A_195 : i32 to vector<16xi32>
      %lt3A_197 = arith.cmpi slt, %rem3A_191, %lt3A_196 : vector<16xi32>
      %lt3A_198 = arith.constant 0 : i32
      %lt3A_199 = arith.cmpi slt, %select_n3A_189, %lt3A_198 : i32
      %ne3A_200 = vector.broadcast %lt3A_199 : i1 to vector<16xi1>
      %ne3A_201 = vector.broadcast %ne3A_200 : vector<16xi1> to vector<16xi1>
      %ne3A_202 = arith.xori %lt3A_197, %ne3A_201 : vector<16xi1>
      %and3A_203 = arith.andi %ne3A_202, %ne3A_194 : vector<16xi1>
      %add3A_204 = vector.broadcast %select_n3A_189 : i32 to vector<16xi32>
      %add3A_205 = arith.addi %rem3A_191, %add3A_204 : vector<16xi32>
      %select_n3A_206 = arith.select %and3A_203, %add3A_205, %rem3A_191 : vector<16xi1>, vector<16xi32>
      %ge3A_207 = arith.constant 13 : i32
      %ge3A_208 = vector.broadcast %ge3A_207 : i32 to vector<16xi32>
      %ge3A_209 = arith.cmpi sge, %select_n3A_206, %ge3A_208 : vector<16xi32>
      %convert_element_type3A_210 = arith.fptosi %get3A_181 : vector<16xf32> to vector<16xi32>
      %convert_element_type3A_211 = arith.sitofp %convert_element_type3A_210 : vector<16xi32> to vector<16xf32>
      %eq3A_212 = arith.cmpf oeq, %convert_element_type3A_211, %get3A_181 : vector<16xf32>
      %ge3A_213 = arith.constant 0.000000e+00 : f32
      %ge3A_214 = vector.broadcast %ge3A_213 : f32 to vector<16xf32>
      %ge3A_215 = arith.cmpf oge, %get3A_181, %ge3A_214 : vector<16xf32>
      %and3A_216 = arith.andi %eq3A_212, %ge3A_215 : vector<16xi1>
      %le3A_217 = arith.constant 1.500000e+01 : f32
      %le3A_218 = vector.broadcast %le3A_217 : f32 to vector<16xf32>
      %le3A_219 = arith.cmpf ole, %get3A_181, %le3A_218 : vector<16xf32>
      %and3A_220 = arith.andi %and3A_216, %le3A_219 : vector<16xi1>
      %add3A_221 = arith.constant 1.000000e+00 : f32
      %add3A_222 = vector.broadcast %add3A_221 : f32 to vector<16xf32>
      %add3A_223 = arith.addf %get3A_181, %add3A_222 : vector<16xf32>
      %jit3A_224 = arith.constant 0.000000e+00 : f32
      %broadcast_in_dim3A_225 = vector.broadcast %jit3A_224 : f32 to vector<16xf32>
      %select_n3A_226 = arith.select %and3A_220, %add3A_223, %broadcast_in_dim3A_225 : vector<16xi1>, vector<16xf32>
      %select_n3A_227 = arith.select %ge3A_209, %select_n3A_226, %get3A_181 : vector<16xi1>, vector<16xf32>
      %swap3A_228 = arith.index_cast %mul3A_178 : i32 to index
      %swap3A_229 = tpu.vector_load %arg4[%swap3A_228] {strides = array<i32>} : memref<19968xf32, #tpu.memory_space<vmem>>, vector<16xf32>,
      %swap3A_230 = vector.shape_cast %swap3A_229 : vector<16xf32> to vector<16xf32>
      %swap3A_231 = vector.shape_cast %select_n3A_227 : vector<16xf32> to vector<16xf32>
      tpu.vector_store %arg4[%swap3A_228], %swap3A_231 {strides = array<i32>} : memref<19968xf32, #tpu.memory_space<vmem>>, vector<16xf32>,
      %mul3A_232 = arith.constant 8 : i32
      %mul3A_233 = arith.muli %scan3A_8, %mul3A_232 : i32
      %add3A_234 = arith.constant 4 : i32
      %add3A_235 = arith.addi %mul3A_233, %add3A_234 : i32
      %mul3A_236 = arith.constant 16 : i32
      %mul3A_237 = arith.muli %add3A_235, %mul3A_236 : i32
      %get3A_238 = arith.index_cast %mul3A_237 : i32 to index
      %get3A_239 = tpu.vector_load %arg4[%get3A_238] {strides = array<i32>} : memref<19968xf32, #tpu.memory_space<vmem>>, vector<16xf32>,
      %get3A_240 = vector.shape_cast %get3A_239 : vector<16xf32> to vector<16xf32>
      %add3A_241 = arith.addi %mul3A_2, %mul3A_237 : i32
      %add3A_242 = vector.broadcast %add3A_241 : i32 to vector<16xi32>
      %add3A_243 = arith.addi %add3A_242, %iota3A : vector<16xi32>
      %jit3A_244 = arith.constant 39 : i32
      %eq3A_245 = arith.constant 0 : i32
      %eq3A_246 = arith.cmpi eq, %jit3A_244, %eq3A_245 : i32
      %jit3A_247 = arith.constant 1 : i32
      %select_n3A_248 = arith.select %eq3A_246, %jit3A_247, %jit3A_244 : i32
      %rem3A_249 = vector.broadcast %select_n3A_248 : i32 to vector<16xi32>
      %rem3A_250 = arith.remsi %add3A_243, %rem3A_249 : vector<16xi32>
      %ne3A_251 = arith.constant 0 : i32
      %ne3A_252 = vector.broadcast %ne3A_251 : i32 to vector<16xi32>
      %ne3A_253 = arith.cmpi ne, %rem3A_250, %ne3A_252 : vector<16xi32>
      %lt3A_254 = arith.constant 0 : i32
      %lt3A_255 = vector.broadcast %lt3A_254 : i32 to vector<16xi32>
      %lt3A_256 = arith.cmpi slt, %rem3A_250, %lt3A_255 : vector<16xi32>
      %lt3A_257 = arith.constant 0 : i32
      %lt3A_258 = arith.cmpi slt, %select_n3A_248, %lt3A_257 : i32
      %ne3A_259 = vector.broadcast %lt3A_258 : i1 to vector<16xi1>
      %ne3A_260 = vector.broadcast %ne3A_259 : vector<16xi1> to vector<16xi1>
      %ne3A_261 = arith.xori %lt3A_256, %ne3A_260 : vector<16xi1>
      %and3A_262 = arith.andi %ne3A_261, %ne3A_253 : vector<16xi1>
      %add3A_263 = vector.broadcast %select_n3A_248 : i32 to vector<16xi32>
      %add3A_264 = arith.addi %rem3A_250, %add3A_263 : vector<16xi32>
      %select_n3A_265 = arith.select %and3A_262, %add3A_264, %rem3A_250 : vector<16xi1>, vector<16xi32>
      %ge3A_266 = arith.constant 13 : i32
      %ge3A_267 = vector.broadcast %ge3A_266 : i32 to vector<16xi32>
      %ge3A_268 = arith.cmpi sge, %select_n3A_265, %ge3A_267 : vector<16xi32>
      %convert_element_type3A_269 = arith.fptosi %get3A_240 : vector<16xf32> to vector<16xi32>
      %convert_element_type3A_270 = arith.sitofp %convert_element_type3A_269 : vector<16xi32> to vector<16xf32>
      %eq3A_271 = arith.cmpf oeq, %convert_element_type3A_270, %get3A_240 : vector<16xf32>
      %ge3A_272 = arith.constant 0.000000e+00 : f32
      %ge3A_273 = vector.broadcast %ge3A_272 : f32 to vector<16xf32>
      %ge3A_274 = arith.cmpf oge, %get3A_240, %ge3A_273 : vector<16xf32>
      %and3A_275 = arith.andi %eq3A_271, %ge3A_274 : vector<16xi1>
      %le3A_276 = arith.constant 1.500000e+01 : f32
      %le3A_277 = vector.broadcast %le3A_276 : f32 to vector<16xf32>
      %le3A_278 = arith.cmpf ole, %get3A_240, %le3A_277 : vector<16xf32>
      %and3A_279 = arith.andi %and3A_275, %le3A_278 : vector<16xi1>
      %add3A_280 = arith.constant 1.000000e+00 : f32
      %add3A_281 = vector.broadcast %add3A_280 : f32 to vector<16xf32>
      %add3A_282 = arith.addf %get3A_240, %add3A_281 : vector<16xf32>
      %jit3A_283 = arith.constant 0.000000e+00 : f32
      %broadcast_in_dim3A_284 = vector.broadcast %jit3A_283 : f32 to vector<16xf32>
      %select_n3A_285 = arith.select %and3A_279, %add3A_282, %broadcast_in_dim3A_284 : vector<16xi1>, vector<16xf32>
      %select_n3A_286 = arith.select %ge3A_268, %select_n3A_285, %get3A_240 : vector<16xi1>, vector<16xf32>
      %swap3A_287 = arith.index_cast %mul3A_237 : i32 to index
      %swap3A_288 = tpu.vector_load %arg4[%swap3A_287] {strides = array<i32>} : memref<19968xf32, #tpu.memory_space<vmem>>, vector<16xf32>,
      %swap3A_289 = vector.shape_cast %swap3A_288 : vector<16xf32> to vector<16xf32>
      %swap3A_290 = vector.shape_cast %select_n3A_286 : vector<16xf32> to vector<16xf32>
      tpu.vector_store %arg4[%swap3A_287], %swap3A_290 {strides = array<i32>} : memref<19968xf32, #tpu.memory_space<vmem>>, vector<16xf32>,
      %mul3A_291 = arith.constant 8 : i32
      %mul3A_292 = arith.muli %scan3A_8, %mul3A_291 : i32
      %add3A_293 = arith.constant 5 : i32
      %add3A_294 = arith.addi %mul3A_292, %add3A_293 : i32
      %mul3A_295 = arith.constant 16 : i32
      %mul3A_296 = arith.muli %add3A_294, %mul3A_295 : i32
      %get3A_297 = arith.index_cast %mul3A_296 : i32 to index
      %get3A_298 = tpu.vector_load %arg4[%get3A_297] {strides = array<i32>} : memref<19968xf32, #tpu.memory_space<vmem>>, vector<16xf32>,
      %get3A_299 = vector.shape_cast %get3A_298 : vector<16xf32> to vector<16xf32>
      %add3A_300 = arith.addi %mul3A_2, %mul3A_296 : i32
      %add3A_301 = vector.broadcast %add3A_300 : i32 to vector<16xi32>
      %add3A_302 = arith.addi %add3A_301, %iota3A : vector<16xi32>
      %jit3A_303 = arith.constant 39 : i32
      %eq3A_304 = arith.constant 0 : i32
      %eq3A_305 = arith.cmpi eq, %jit3A_303, %eq3A_304 : i32
      %jit3A_306 = arith.constant 1 : i32
      %select_n3A_307 = arith.select %eq3A_305, %jit3A_306, %jit3A_303 : i32
      %rem3A_308 = vector.broadcast %select_n3A_307 : i32 to vector<16xi32>
      %rem3A_309 = arith.remsi %add3A_302, %rem3A_308 : vector<16xi32>
      %ne3A_310 = arith.constant 0 : i32
      %ne3A_311 = vector.broadcast %ne3A_310 : i32 to vector<16xi32>
      %ne3A_312 = arith.cmpi ne, %rem3A_309, %ne3A_311 : vector<16xi32>
      %lt3A_313 = arith.constant 0 : i32
      %lt3A_314 = vector.broadcast %lt3A_313 : i32 to vector<16xi32>
      %lt3A_315 = arith.cmpi slt, %rem3A_309, %lt3A_314 : vector<16xi32>
      %lt3A_316 = arith.constant 0 : i32
      %lt3A_317 = arith.cmpi slt, %select_n3A_307, %lt3A_316 : i32
      %ne3A_318 = vector.broadcast %lt3A_317 : i1 to vector<16xi1>
      %ne3A_319 = vector.broadcast %ne3A_318 : vector<16xi1> to vector<16xi1>
      %ne3A_320 = arith.xori %lt3A_315, %ne3A_319 : vector<16xi1>
      %and3A_321 = arith.andi %ne3A_320, %ne3A_312 : vector<16xi1>
      %add3A_322 = vector.broadcast %select_n3A_307 : i32 to vector<16xi32>
      %add3A_323 = arith.addi %rem3A_309, %add3A_322 : vector<16xi32>
      %select_n3A_324 = arith.select %and3A_321, %add3A_323, %rem3A_309 : vector<16xi1>, vector<16xi32>
      %ge3A_325 = arith.constant 13 : i32
      %ge3A_326 = vector.broadcast %ge3A_325 : i32 to vector<16xi32>
      %ge3A_327 = arith.cmpi sge, %select_n3A_324, %ge3A_326 : vector<16xi32>
      %convert_element_type3A_328 = arith.fptosi %get3A_299 : vector<16xf32> to vector<16xi32>
      %convert_element_type3A_329 = arith.sitofp %convert_element_type3A_328 : vector<16xi32> to vector<16xf32>
      %eq3A_330 = arith.cmpf oeq, %convert_element_type3A_329, %get3A_299 : vector<16xf32>
      %ge3A_331 = arith.constant 0.000000e+00 : f32
      %ge3A_332 = vector.broadcast %ge3A_331 : f32 to vector<16xf32>
      %ge3A_333 = arith.cmpf oge, %get3A_299, %ge3A_332 : vector<16xf32>
      %and3A_334 = arith.andi %eq3A_330, %ge3A_333 : vector<16xi1>
      %le3A_335 = arith.constant 1.500000e+01 : f32
      %le3A_336 = vector.broadcast %le3A_335 : f32 to vector<16xf32>
      %le3A_337 = arith.cmpf ole, %get3A_299, %le3A_336 : vector<16xf32>
      %and3A_338 = arith.andi %and3A_334, %le3A_337 : vector<16xi1>
      %add3A_339 = arith.constant 1.000000e+00 : f32
      %add3A_340 = vector.broadcast %add3A_339 : f32 to vector<16xf32>
      %add3A_341 = arith.addf %get3A_299, %add3A_340 : vector<16xf32>
      %jit3A_342 = arith.constant 0.000000e+00 : f32
      %broadcast_in_dim3A_343 = vector.broadcast %jit3A_342 : f32 to vector<16xf32>
      %select_n3A_344 = arith.select %and3A_338, %add3A_341, %broadcast_in_dim3A_343 : vector<16xi1>, vector<16xf32>
      %select_n3A_345 = arith.select %ge3A_327, %select_n3A_344, %get3A_299 : vector<16xi1>, vector<16xf32>
      %swap3A_346 = arith.index_cast %mul3A_296 : i32 to index
      %swap3A_347 = tpu.vector_load %arg4[%swap3A_346] {strides = array<i32>} : memref<19968xf32, #tpu.memory_space<vmem>>, vector<16xf32>,
      %swap3A_348 = vector.shape_cast %swap3A_347 : vector<16xf32> to vector<16xf32>
      %swap3A_349 = vector.shape_cast %select_n3A_345 : vector<16xf32> to vector<16xf32>
      tpu.vector_store %arg4[%swap3A_346], %swap3A_349 {strides = array<i32>} : memref<19968xf32, #tpu.memory_space<vmem>>, vector<16xf32>,
      %mul3A_350 = arith.constant 8 : i32
      %mul3A_351 = arith.muli %scan3A_8, %mul3A_350 : i32
      %add3A_352 = arith.constant 6 : i32
      %add3A_353 = arith.addi %mul3A_351, %add3A_352 : i32
      %mul3A_354 = arith.constant 16 : i32
      %mul3A_355 = arith.muli %add3A_353, %mul3A_354 : i32
      %get3A_356 = arith.index_cast %mul3A_355 : i32 to index
      %get3A_357 = tpu.vector_load %arg4[%get3A_356] {strides = array<i32>} : memref<19968xf32, #tpu.memory_space<vmem>>, vector<16xf32>,
      %get3A_358 = vector.shape_cast %get3A_357 : vector<16xf32> to vector<16xf32>
      %add3A_359 = arith.addi %mul3A_2, %mul3A_355 : i32
      %add3A_360 = vector.broadcast %add3A_359 : i32 to vector<16xi32>
      %add3A_361 = arith.addi %add3A_360, %iota3A : vector<16xi32>
      %jit3A_362 = arith.constant 39 : i32
      %eq3A_363 = arith.constant 0 : i32
      %eq3A_364 = arith.cmpi eq, %jit3A_362, %eq3A_363 : i32
      %jit3A_365 = arith.constant 1 : i32
      %select_n3A_366 = arith.select %eq3A_364, %jit3A_365, %jit3A_362 : i32
      %rem3A_367 = vector.broadcast %select_n3A_366 : i32 to vector<16xi32>
      %rem3A_368 = arith.remsi %add3A_361, %rem3A_367 : vector<16xi32>
      %ne3A_369 = arith.constant 0 : i32
      %ne3A_370 = vector.broadcast %ne3A_369 : i32 to vector<16xi32>
      %ne3A_371 = arith.cmpi ne, %rem3A_368, %ne3A_370 : vector<16xi32>
      %lt3A_372 = arith.constant 0 : i32
      %lt3A_373 = vector.broadcast %lt3A_372 : i32 to vector<16xi32>
      %lt3A_374 = arith.cmpi slt, %rem3A_368, %lt3A_373 : vector<16xi32>
      %lt3A_375 = arith.constant 0 : i32
      %lt3A_376 = arith.cmpi slt, %select_n3A_366, %lt3A_375 : i32
      %ne3A_377 = vector.broadcast %lt3A_376 : i1 to vector<16xi1>
      %ne3A_378 = vector.broadcast %ne3A_377 : vector<16xi1> to vector<16xi1>
      %ne3A_379 = arith.xori %lt3A_374, %ne3A_378 : vector<16xi1>
      %and3A_380 = arith.andi %ne3A_379, %ne3A_371 : vector<16xi1>
      %add3A_381 = vector.broadcast %select_n3A_366 : i32 to vector<16xi32>
      %add3A_382 = arith.addi %rem3A_368, %add3A_381 : vector<16xi32>
      %select_n3A_383 = arith.select %and3A_380, %add3A_382, %rem3A_368 : vector<16xi1>, vector<16xi32>
      %ge3A_384 = arith.constant 13 : i32
      %ge3A_385 = vector.broadcast %ge3A_384 : i32 to vector<16xi32>
      %ge3A_386 = arith.cmpi sge, %select_n3A_383, %ge3A_385 : vector<16xi32>
      %convert_element_type3A_387 = arith.fptosi %get3A_358 : vector<16xf32> to vector<16xi32>
      %convert_element_type3A_388 = arith.sitofp %convert_element_type3A_387 : vector<16xi32> to vector<16xf32>
      %eq3A_389 = arith.cmpf oeq, %convert_element_type3A_388, %get3A_358 : vector<16xf32>
      %ge3A_390 = arith.constant 0.000000e+00 : f32
      %ge3A_391 = vector.broadcast %ge3A_390 : f32 to vector<16xf32>
      %ge3A_392 = arith.cmpf oge, %get3A_358, %ge3A_391 : vector<16xf32>
      %and3A_393 = arith.andi %eq3A_389, %ge3A_392 : vector<16xi1>
      %le3A_394 = arith.constant 1.500000e+01 : f32
      %le3A_395 = vector.broadcast %le3A_394 : f32 to vector<16xf32>
      %le3A_396 = arith.cmpf ole, %get3A_358, %le3A_395 : vector<16xf32>
      %and3A_397 = arith.andi %and3A_393, %le3A_396 : vector<16xi1>
      %add3A_398 = arith.constant 1.000000e+00 : f32
      %add3A_399 = vector.broadcast %add3A_398 : f32 to vector<16xf32>
      %add3A_400 = arith.addf %get3A_358, %add3A_399 : vector<16xf32>
      %jit3A_401 = arith.constant 0.000000e+00 : f32
      %broadcast_in_dim3A_402 = vector.broadcast %jit3A_401 : f32 to vector<16xf32>
      %select_n3A_403 = arith.select %and3A_397, %add3A_400, %broadcast_in_dim3A_402 : vector<16xi1>, vector<16xf32>
      %select_n3A_404 = arith.select %ge3A_386, %select_n3A_403, %get3A_358 : vector<16xi1>, vector<16xf32>
      %swap3A_405 = arith.index_cast %mul3A_355 : i32 to index
      %swap3A_406 = tpu.vector_load %arg4[%swap3A_405] {strides = array<i32>} : memref<19968xf32, #tpu.memory_space<vmem>>, vector<16xf32>,
      %swap3A_407 = vector.shape_cast %swap3A_406 : vector<16xf32> to vector<16xf32>
      %swap3A_408 = vector.shape_cast %select_n3A_404 : vector<16xf32> to vector<16xf32>
      tpu.vector_store %arg4[%swap3A_405], %swap3A_408 {strides = array<i32>} : memref<19968xf32, #tpu.memory_space<vmem>>, vector<16xf32>,
      %mul3A_409 = arith.constant 8 : i32
      %mul3A_410 = arith.muli %scan3A_8, %mul3A_409 : i32
      %add3A_411 = arith.constant 7 : i32
      %add3A_412 = arith.addi %mul3A_410, %add3A_411 : i32
      %mul3A_413 = arith.constant 16 : i32
      %mul3A_414 = arith.muli %add3A_412, %mul3A_413 : i32
      %get3A_415 = arith.index_cast %mul3A_414 : i32 to index
      %get3A_416 = tpu.vector_load %arg4[%get3A_415] {strides = array<i32>} : memref<19968xf32, #tpu.memory_space<vmem>>, vector<16xf32>,
      %get3A_417 = vector.shape_cast %get3A_416 : vector<16xf32> to vector<16xf32>
      %add3A_418 = arith.addi %mul3A_2, %mul3A_414 : i32
      %add3A_419 = vector.broadcast %add3A_418 : i32 to vector<16xi32>
      %add3A_420 = arith.addi %add3A_419, %iota3A : vector<16xi32>
      %jit3A_421 = arith.constant 39 : i32
      %eq3A_422 = arith.constant 0 : i32
      %eq3A_423 = arith.cmpi eq, %jit3A_421, %eq3A_422 : i32
      %jit3A_424 = arith.constant 1 : i32
      %select_n3A_425 = arith.select %eq3A_423, %jit3A_424, %jit3A_421 : i32
      %rem3A_426 = vector.broadcast %select_n3A_425 : i32 to vector<16xi32>
      %rem3A_427 = arith.remsi %add3A_420, %rem3A_426 : vector<16xi32>
      %ne3A_428 = arith.constant 0 : i32
      %ne3A_429 = vector.broadcast %ne3A_428 : i32 to vector<16xi32>
      %ne3A_430 = arith.cmpi ne, %rem3A_427, %ne3A_429 : vector<16xi32>
      %lt3A_431 = arith.constant 0 : i32
      %lt3A_432 = vector.broadcast %lt3A_431 : i32 to vector<16xi32>
      %lt3A_433 = arith.cmpi slt, %rem3A_427, %lt3A_432 : vector<16xi32>
      %lt3A_434 = arith.constant 0 : i32
      %lt3A_435 = arith.cmpi slt, %select_n3A_425, %lt3A_434 : i32
      %ne3A_436 = vector.broadcast %lt3A_435 : i1 to vector<16xi1>
      %ne3A_437 = vector.broadcast %ne3A_436 : vector<16xi1> to vector<16xi1>
      %ne3A_438 = arith.xori %lt3A_433, %ne3A_437 : vector<16xi1>
      %and3A_439 = arith.andi %ne3A_438, %ne3A_430 : vector<16xi1>
      %add3A_440 = vector.broadcast %select_n3A_425 : i32 to vector<16xi32>
      %add3A_441 = arith.addi %rem3A_427, %add3A_440 : vector<16xi32>
      %select_n3A_442 = arith.select %and3A_439, %add3A_441, %rem3A_427 : vector<16xi1>, vector<16xi32>
      %ge3A_443 = arith.constant 13 : i32
      %ge3A_444 = vector.broadcast %ge3A_443 : i32 to vector<16xi32>
      %ge3A_445 = arith.cmpi sge, %select_n3A_442, %ge3A_444 : vector<16xi32>
      %convert_element_type3A_446 = arith.fptosi %get3A_417 : vector<16xf32> to vector<16xi32>
      %convert_element_type3A_447 = arith.sitofp %convert_element_type3A_446 : vector<16xi32> to vector<16xf32>
      %eq3A_448 = arith.cmpf oeq, %convert_element_type3A_447, %get3A_417 : vector<16xf32>
      %ge3A_449 = arith.constant 0.000000e+00 : f32
      %ge3A_450 = vector.broadcast %ge3A_449 : f32 to vector<16xf32>
      %ge3A_451 = arith.cmpf oge, %get3A_417, %ge3A_450 : vector<16xf32>
      %and3A_452 = arith.andi %eq3A_448, %ge3A_451 : vector<16xi1>
      %le3A_453 = arith.constant 1.500000e+01 : f32
      %le3A_454 = vector.broadcast %le3A_453 : f32 to vector<16xf32>
      %le3A_455 = arith.cmpf ole, %get3A_417, %le3A_454 : vector<16xf32>
      %and3A_456 = arith.andi %and3A_452, %le3A_455 : vector<16xi1>
      %add3A_457 = arith.constant 1.000000e+00 : f32
      %add3A_458 = vector.broadcast %add3A_457 : f32 to vector<16xf32>
      %add3A_459 = arith.addf %get3A_417, %add3A_458 : vector<16xf32>
      %jit3A_460 = arith.constant 0.000000e+00 : f32
      %broadcast_in_dim3A_461 = vector.broadcast %jit3A_460 : f32 to vector<16xf32>
      %select_n3A_462 = arith.select %and3A_456, %add3A_459, %broadcast_in_dim3A_461 : vector<16xi1>, vector<16xf32>
      %select_n3A_463 = arith.select %ge3A_445, %select_n3A_462, %get3A_417 : vector<16xi1>, vector<16xf32>
      %swap3A_464 = arith.index_cast %mul3A_414 : i32 to index
      %swap3A_465 = tpu.vector_load %arg4[%swap3A_464] {strides = array<i32>} : memref<19968xf32, #tpu.memory_space<vmem>>, vector<16xf32>,
      %swap3A_466 = vector.shape_cast %swap3A_465 : vector<16xf32> to vector<16xf32>
      %swap3A_467 = vector.shape_cast %select_n3A_463 : vector<16xf32> to vector<16xf32>
      tpu.vector_store %arg4[%swap3A_464], %swap3A_467 {strides = array<i32>} : memref<19968xf32, #tpu.memory_space<vmem>>, vector<16xf32>,
    }
    %scan3A_7 = arith.constant 156 : i32
    "tpu.region"() ({
      %run_scoped3A = tpu.sem_alloc : memref<!tpu.dma_semaphore, #tpu.memory_space<semaphore_mem>>
      %dma_start3A = tpu.memref_slice %arg3[%mul3A_2] : memref<638976xf32, #tpu.memory_space<hbm>> -> memref<19968xf32, #tpu.memory_space<hbm>>
      %dma_start3A_8 = tpu.memref_slice %arg3[%mul3A_2] : memref<638976xf32, #tpu.memory_space<hbm>> -> memref<19968xf32, #tpu.memory_space<hbm>>
      tpu.enqueue_dma source(%arg4 : memref<19968xf32, #tpu.memory_space<vmem>>) target(%dma_start3A_8 : memref<19968xf32, #tpu.memory_space<hbm>>) target_semaphore(%run_scoped3A : memref<!tpu.dma_semaphore, #tpu.memory_space<semaphore_mem>>)
      %dma_wait3A = tpu.memref_slice %arg3[%mul3A_2] : memref<638976xf32, #tpu.memory_space<hbm>> -> memref<19968xf32, #tpu.memory_space<hbm>>
      %dma_wait3A_9 = tpu.memref_slice %arg3[%mul3A_2] : memref<638976xf32, #tpu.memory_space<hbm>> -> memref<19968xf32, #tpu.memory_space<hbm>>
      tpu.wait_dma2 semaphore(%run_scoped3A : memref<!tpu.dma_semaphore, #tpu.memory_space<semaphore_mem>>) src(%arg4 : memref<19968xf32, #tpu.memory_space<vmem>>) dst(%dma_wait3A_9 : memref<19968xf32, #tpu.memory_space<hbm>>)
      tpu.yield
    }) : () -> ()
    return
  }
}

</mosaic_0001>

<sc_bundles>
// kernel: _sc_encode.3.cloned.1.call-start
scs
__scs_entry_jumppad:
0x0: {  	(pc) =	sbr.rel $0x88, $3  }
0x1: {  	(tag) =	ssettag $0x0;
	lr =	simm.s32 $0x1  }
0x2: {  	[smem:$0x3FA0] =	sst lr;
	_ =	strace $0xD0000000  }
0x3: {  	_ = 	snop  }
0x4: {  	_ = 	snop  }
0x5: {  	_ = 	snop  }
0x6: {  	_ = 	snop  }
0x7: {  	_ = 	snop  }
__scs_overlays_trampoline_lowered:
0x8: {  	[smem:$0x3FAF] =	sst s0  }
0x9: {  	[smem:$0x3FB0] =	sst s1  }
0xa: {  	[smem:$0x3FB1] =	sst s2  }
0xb: {  	[smem:$0x3FB2] =	sst s3  }
0xc: {  	[smem:$0x3FB3] =	sst s4  }
0xd: {  	[smem:$0x3FB4] =	sst s5  }
0xe: {  	[smem:$0x3FB5] =	sst s6  }
0xf: {  	[smem:$0x3FB6] =	sst s7  }
0x10: {  	[smem:$0x3FB7] =	sst s8  }
0x11: {  	[smem:$0x3FB8] =	sst s9;
	s0 =	simm.s32 @!p0 $0x0  }
0x12: {  	s1 =	sld [smem:$0x3F9E];
	s0 =	simm.s32 @p0 $0x1  }
0x13: {  	[smem:$0x3FB9] =	sst s0;
	s0 =	simm.s32 @!p1 $0x0  }
0x14: {  	s2 =	sld [smem:$0x3F9D];
	s0 =	simm.s32 @p1 $0x1  }
0x15: {  	[smem:$0x3FBA] =	sst s0;
	s0 =	simm.s32 @!p2 $0x0  }
0x16: {  	s3 =	sld [smem:$0x3FDB];
	s0 =	simm.s32 @p2 $0x1  }
0x17: {  	s4 =	simm.s32 $0x1BF5;
	[smem:$0x3FBC] =	sst s0  }
0x18: {  	s0 =	sld [smem:$0x3F9F];
	_ =	swait.ge [sflag:s4], $0x0  }
0x19: {  	s7 =	sld [smem:$0x3FA0]  }
0x1a: {  	s8 =	sadd.s32 $0xFFFFE003, lr  }
0x1b: {  	s9 =	sadd.s32 $0xFFFFFEF7, lr;
	s5 =	simm.s32 $0xFFFFFFFF;
	p2 =	slt.u32 s8, $0xFFFFF086  }
0x1c: {  	p1 =	slt.u32 s9, $0xF7A;
	s5 =	simm.s32 @!p2 $0x0  }
0x1d: {  	s5 =	simm.s32 @p1 $0x1;
	p0 =	seq.s32 s7, s2  }
0x1e: {  	s7 =	smul.u32 @!p0 $0xF7A, s2;
	p2 =	seq.s32 @!p0 s5, $0x0  }
0x1f: {  	s9 =	smul.u32 $0xF7A, s1;
	s8 =	simm.s32 @!p0 $0x1BF5;
	p2 =	por !p2, p0  }
0x20: {  	[sflag:s8] =	ssyncset.s32 @!p0 $0xFFFFF086;
	s6 =	sadd.s32 @!p0 s3, s7;
	s7 =	simm.s32 @!p0 $0x108  }
0x21: {  	s3 =	sadd.s32 s3, s9;
	s6 =	sadd.s32 @!p0 $0x88, s6;
	s7 =	simm.s32 @p2 $0x1082  }
0x22: {  	[simem:s7], [sflag:s8] =	dma.local @!p0 [hbm:s6], $0xF7A  }
0x23: {  	s9 =	sor.u32 $0xD0000000, s2;
	s6 =	simm.s32 $0x108;
	_ =	swait.ge @!p0 [sflag:s8], $0x0  }
0x24: {  	s3 =	sadd.s32 $0x88, s3;
	s6 =	simm.s32 @!p1 $0x1082;
	[sflag:s4] =	ssyncset.s32 $0xFFFFF086  }
0x25: {  	[simem:s6], [sflag:s4] =	dma.local [hbm:s3], $0xF7A  }
0x26: {  	[smem:$0x3FA0] =	sst s1;
	(tag) =	ssettag s2;
	_ =	strace s9  }
0x27: {  	s1 =	sld [smem:$0x3FB0]  }
0x28: {  	s2 =	sld [smem:$0x3FB1]  }
0x29: {  	s4 =	sld [smem:$0x3FB3]  }
0x2a: {  	p0 =	seq.s32 s5, $0x0;
	s5 =	sld [smem:$0x3FB4]  }
0x2b: {  	s6 =	sld [smem:$0x3FB5]  }
0x2c: {  	s7 =	sld [smem:$0x3FB6]  }
0x2d: {  	s3 =	simm.s32 $0x108;
	s8 =	sld [smem:$0x3FB7]  }
0x2e: {  	s3 =	simm.s32 @!p0 $0x1082;
	s9 =	sld [smem:$0x3FB8]  }
0x2f: {  	lr =	sadd.s32 s0, s3;
	s0 =	sld [smem:$0x3FAF]  }
0x30: {  	s3 =	sld [smem:$0x3FB2]  }
0x31: {  	[smem:$0x3FBB] =	sst s10  }
0x32: {  	s10 =	sld [smem:$0x3FB9];
	_ =	sdelay $0x3  }
0x33: {  	p0 =	seq.s32 s10, $0x1;
	s10 =	sld [smem:$0x3FBB];
	_ =	sdelay $0x3  }
0x34: {  	[smem:$0x3FBB] =	sst s10  }
0x35: {  	s10 =	sld [smem:$0x3FBA];
	_ =	sdelay $0x3  }
0x36: {  	p1 =	seq.s32 s10, $0x1;
	s10 =	sld [smem:$0x3FBB];
	_ =	sdelay $0x3  }
0x37: {  	[smem:$0x3FBB] =	sst s10  }
0x38: {  	s10 =	sld [smem:$0x3FBC]  }
0x39: {  	_ = 	snop;
	(pc) =	sbr.ind lr, $3  }
0x3a: {  	_ = 	snop  }
0x3b: {  	_ = 	snop  }
0x3c: {  	p2 =	seq.s32 s10, $0x1;
	s10 =	sld [smem:$0x3FBB]  }
0x3d: {  	_ =	shalt  }
0x3e: {  	_ =	shalt  }
0x3f: {  	_ =	shalt  }
0x40: {  	_ =	shalt  }
0x41: {  	_ =	shalt  }
0x42: {  	_ =	shalt  }
0x43: {  	_ =	shalt  }
0x44: {  	_ =	shalt  }
0x45: {  	_ =	shalt  }
0x46: {  	_ =	shalt  }
0x47: {  	_ =	shalt  }
0x48: {  	_ =	shalt  }
0x49: {  	_ =	shalt  }
0x4a: {  	_ =	shalt  }
0x4b: {  	_ =	shalt  }
0x4c: {  	_ =	shalt  }
0x4d: {  	_ =	shalt  }
0x4e: {  	_ =	shalt  }
0x4f: {  	_ =	shalt  }
0x50: {  	_ =	shalt  }
0x51: {  	_ =	shalt  }
0x52: {  	_ =	shalt  }
0x53: {  	_ =	shalt  }
0x54: {  	_ =	shalt  }
0x55: {  	_ =	shalt  }
0x56: {  	_ =	shalt  }
0x57: {  	_ =	shalt  }
0x58: {  	_ =	shalt  }
0x59: {  	_ =	shalt  }
0x5a: {  	_ =	shalt  }
0x5b: {  	_ =	shalt  }
0x5c: {  	_ =	shalt  }
0x5d: {  	_ =	shalt  }
0x5e: {  	_ =	shalt  }
0x5f: {  	_ =	shalt  }
0x60: {  	_ =	shalt  }
0x61: {  	_ =	shalt  }
0x62: {  	_ =	shalt  }
0x63: {  	_ =	shalt  }
0x64: {  	_ =	shalt  }
0x65: {  	_ =	shalt  }
0x66: {  	_ =	shalt  }
0x67: {  	_ =	shalt  }
0x68: {  	_ =	shalt  }
0x69: {  	_ =	shalt  }
0x6a: {  	_ =	shalt  }
0x6b: {  	_ =	shalt  }
0x6c: {  	_ =	shalt  }
0x6d: {  	_ =	shalt  }
0x6e: {  	_ =	shalt  }
0x6f: {  	_ =	shalt  }
0x70: {  	_ =	shalt  }
0x71: {  	_ =	shalt  }
0x72: {  	_ =	shalt  }
0x73: {  	_ =	shalt  }
0x74: {  	_ =	shalt  }
0x75: {  	_ =	shalt  }
0x76: {  	_ =	shalt  }
0x77: {  	_ =	shalt  }
0x78: {  	_ =	shalt  }
0x79: {  	_ =	shalt  }
0x7a: {  	_ =	shalt  }
0x7b: {  	_ =	shalt  }
0x7c: {  	_ =	shalt  }
0x7d: {  	_ =	shalt  }
0x7e: {  	_ =	shalt  }
0x7f: {  	_ =	shalt  }
0x80: {  	_ =	shalt  }
0x81: {  	_ =	shalt  }
0x82: {  	_ =	shalt  }
0x83: {  	_ =	shalt  }
0x84: {  	_ =	shalt  }
0x85: {  	_ =	shalt  }
0x86: {  	_ =	shalt  }
0x87: {  	_ =	shalt  }
.Lfunc_end0:
.L_simem_size_0:
called_computation_lowered:
.L_overlay_start_0:
0x88: {  	s2 =	sld [smem:$0x3FD9]  }
0x89: {  	s3 =	sld [smem:$0x3FFE];
	_ =	sdelay $0x1  }
0x8a: {  	s1 =	srdreg.scid  }
0x8b: {  	s0 =	sand.u32 $0x1, s1  }
0x8c: {  	s18 =	sshll.u32 s0, $0xA;
	s2 =	sadd.s32 s3, s2  }
0x8d: {  	s2 =	sadd.s32 s2, s18  }
0x8e: {  	[smem:$0x3FC7] =	sst s2  }
0x8f: {  	_ = 	snop  }
0x90: {  	s2 =	sld [smem:$0x3FC9]  }
0x91: {  	s19 =	sld [smem:$0x3FD0];
	(tm) =	ssettm $0x1  }
0x92: {  	s4 =	sld [smem:$0x3FFB];
	_ =	sdelay $0x3  }
0x93: {  	_ =	strace s4  }
0x94: {  	s4 =	sld [smem:$0x3FFC];
	_ =	sdelay $0x3  }
0x95: {  	_ =	strace s4  }
0x96: {  	s4 =	sld [smem:$0x3FFD];
	_ =	sdelay $0x3  }
0x97: {  	_ =	strace s4  }
0x98: {  	_ =	strace $0x8FFFFFFF  }
0x99: {  	s20 =	sld [smem:$0x3FDB];
	_ =	sdelay $0x1  }
0x9a: {  	s5 =	simm.s32 $_scs_section_size  }
0x9b: {  	s6 =	simm.s32 $_size__tile_overlayer_lowered;
	s7 =	simm.s32 $_tile_overlayer_lowered  }
0x9c: {  	s23 =	simm.s32 $0x1BFF;
	s22 =	sshll.u32 s7, $0x1;
	s4 =	sadd.s32 s5, s20  }
0x9d: {  	s8 =	simm.s32 $0x0;
	s21 =	sshll.u32 s6, $0x1;
	s6 =	sadd.s32 s22, s4  }
0x9e: {  	[timem:s8], [sflag:s23] =	dma.local [hbm:s6], s21  }
0x9f: {  	_ =	swait.ge [sflag:s23], s21  }
0xa0: {  	s5 =	ssub.s32 $0x0, s21;
	[sflag:s23] =	ssyncset.done $0x0  }
0xa1: {  	[sflag:s23] =	ssyncadd.s32 s5;
	_ =	sdelay $0x1  }
0xa2: {  	s24 =	simm.s32 $0x1B8B  }
0xa3: {  	_ =	swait.ge [sflag:s24], $0x1  }
0xa4: {  	[sflag:s24] =	ssyncset.done $0x0  }
0xa5: {  	s25 =	simm.s32 $0x1B8E;
	[sflag:s24] =	ssyncadd.s32 $0xFFFFFFFF  }
0xa6: {  	s26 =	simm.s32 $execute0_lowered;
	[smem:$0x3FD2] =	sst s25  }
0xa7: {  	s5 =	sshll.u32 s26, $0x1;
	_ =	strace $0x80000046;
	[dreg:$0x1] =	wrdreg $0xFFFFFFFF  }
0xa8: {  	s28 =	simm.s32 $_size_execute0_lowered;
	s4 =	sadd.s32 s4, s5;
	[dreg:$0x0] =	wrdreg $0x0  }
0xa9: {  	s5 =	sshll.u32 s28, $0x1;
	[dreg:$0x2] =	wrdreg s4  }
0xaa: {  	[dreg:$0x3] =	wrdreg s5  }
0xab: {  	[dreg:$0x4] =	wrdreg $0xC0  }
0xac: {  	_ =	task [dreg:s8], $0x5FFFF  }
0xad: {  	[dreg:$0x1] =	wrdreg $0xFFFFFFFF  }
0xae: {  	[dreg:$0x0] =	wrdreg $0x60  }
0xaf: {  	[dreg:$0x2] =	wrdreg s2  }
0xb0: {  	[dreg:$0x3] =	wrdreg s19  }
0xb1: {  	[dreg:$0x4] =	wrdreg $0x9  }
0xb2: {  	_ =	task.clear_ibuf [dreg:s8], $0x5FFFF;
	_ =	strace $0x90000046  }
0xb3: {  	s29 =	simm.s32 $0x9;
	_ =	strace $0x80000048  }
0xb4: {  	_ =	swait.ge [sflag:s29], $0x1  }
0xb5: {  	[sflag:s29] =	ssyncadd.s32 $0xFFFFFFFF  }
0xb6: {  	_ =	strace $0x90000048  }
0xb7: {  	_ =	sfence  }
0xb8: {  	s30 =	sld [smem:$0x0];
	_ =	sdelay $0x2  }
0xb9: {  	s31 =	sshll.u32 s1, $0xD;
	s1 =	sshrl.u32 s1, $0x2  }
0xba: {  	s3 =	sand.u32 $0x4000, s31;
	s1 =	sadd.s32 s1, s30  }
0xbb: {  	s0 =	sor.u32 s3, s0;
	s1 =	sshll.u32 s1, $0x11  }
0xbc: {  	s0 =	sor.u32 s1, s0  }
0xbd: {  	s0 =	sadd.s32 $0x8F2B, s0  }
0xbe: {  	[sflag:s0] =	ssyncadd.remote.s32 $0x1  }
0xbf: {  	_ =	sfence.sel $0xFFFF  }
0xc0: {  	[dreg:$0x0] =	wrdreg $0xFFFFFFFF;
	(pc) =	sbr.abs _section_cstart, $3  }
0xc1: {  	[dreg:$0x1] =	wrdreg $0xFFFFFFFF  }
0xc2: {  	_ =	task.clear_ibuf [dreg:s8], $0x2FFFF;
	_ =	strace $0x9FFFFFFF  }
0xc3: {  	(tm) =	ssettm $0x7FFFFFFF  }
tec
execute0_lowered:
.L_overlay_start_1:
0x0: {  	(tag) =	ssettag $0x1  }
0x1: {  	s3 =	rddreg [dreg:$0x0]  }
0x2: {  	s1 =	srdreg.scid;
	s0 =	stileid.u32  }
0x3: {  	s4 =	rddreg [dreg:$0x1];
	s5 =	sand.u32 $0x1, s1;
	s2 =	sshll.u32 s0, $0x1  }
0x4: {  	s1 =	rddreg [dreg:$0x2];
	s31 =	smul.u32 $0x9C00, s0;
	s6 =	ssub.s32 $0x2, s5  }
0x5: {  	s7 =	sor.u32 s5, s2;
	s2 =	simm.s32 $0x0;
	s9 =	smul.u32 $0x4E00, s5  }
0x6: {  	s8 =	sshrl.u32 s6, $0x1;
	s7 =	smul.u32 $0x4E00, s7;
	[smem:$0x7FF] =	sst s2  }
0x7: {  	s6 =	ssub.s32 s6, s8;
	_ =	strace $0x80000047;
	s8 =	simm.s32 $0x0  }
0x8: {  	s7 =	sshrl.u32 s7, $0x3;
	s5 =	smax.u32 s6, $0x1;
	s6 =	sadd.s32 s9, s31  }
0x9: {  	v0 =	vlaneseq.u32;
	s3 =	sadd.s32 s3, s7;
	s4 =	sadd.s32 s4, s7;
	s7 =	simm.s32 $0x1  }
.LBB2_1:
0xa: {  	s9 =	sadd.s32 $0x0, s6  }
0xb: {  	v1 =	vor.u32 s9, v0;
	s10 =	sadd.s32 $0x10, s9  }
0xc: {  	s20 =	sadd.s32 $0x20, s9;
	v3 =	vmulhi.u32 $0xA41A41A5, v1;
	v4 =	vor.u32 s10, v0  }
0xd: {  	s21 =	sadd.s32 $0x40, s9;
	v6 =	vor.u32 s20, v0;
	v5 =	vmulhi.u32 $0xA41A41A5, v4  }
0xe: {  	s22 =	sadd.s32 $0x50, s9;
	v8 =	vor.u32 s21, v0;
	v7 =	vmulhi.u32 $0xA41A41A5, v6  }
0xf: {  	s23 =	sadd.s32 $0x60, s9;
	v10 =	vor.u32 s22, v0;
	v9 =	vmulhi.u32 $0xA41A41A5, v8  }
0x10: {  	s24 =	sadd.s32 $0x80, s6;
	s11 =	sadd.s32 $0x30, s9;
	s9 =	sadd.s32 $0x70, s9;
	v12 =	vor.u32 s23, v0;
	v11 =	vmulhi.u32 $0xA41A41A5, v10  }
0x11: {  	s26 =	sadd.s32 $0x20, s24;
	v15 =	vor.u32 s9, v0;
	v14 =	vmulhi.u32 $0xA41A41A5, v12  }
0x12: {  	s28 =	sadd.s32 $0x40, s24;
	v52 =	vor.u32 s26, v0;
	v17 =	vmulhi.u32 $0xA41A41A5, v15  }
0x13: {  	s29 =	sadd.s32 $0x50, s24;
	v54 =	vor.u32 s28, v0;
	v53 =	vmulhi.u32 $0xA41A41A5, v52  }
0x14: {  	s31 =	sadd.s32 $0x70, s24;
	v57 =	vor.u32 s29, v0;
	v56 =	vmulhi.u32 $0xA41A41A5, v54  }
0x15: {  	s30 =	sadd.s32 $0x60, s24;
	v2 =	vor.u32 s11, v0;
	v24 =	vor.u32 s31, v0;
	v22 =	vmulhi.u32 $0xA41A41A5, v57  }
0x16: {  	v23 =	vor.u32 s30, v0;
	v26 =	vmulhi.u32 $0xA41A41A5, v24;
	v13 =	vsub.s32 v1, v3  }
0x17: {  	v13 =	vshrl.u32 v13, $0x1;
	v16 =	vsub.s32 v4, v5;
	v18 =	vsub.s32 v6, v7  }
0x18: {  	v19 =	vsub.s32 v8, v9;
	v20 =	vsub.s32 v10, v11;
	v21 =	vsub.s32 v15, v17  }
0x19: {  	[tilespmem:s2], [sflag:$0x1] =	stream.linear.gather [hbm4b:s3+s2], $0x4E00, $0x38;
	v58 =	vsub.s32 v54, v56;
	v61 =	vsub.s32 v24, v26;
	v3 =	vadd.s32 v3, v13;
	[tilespmem:$0x4E00] =	vst v63  }
0x1a: {  	_ =	swait.ge [sflag:s7], $0x4E00;
	v13 =	vsub.s32 v12, v14;
	v16 =	vshrl.u32 v16, $0x1;
	v18 =	vshrl.u32 v18, $0x1  }
0x1b: {  	[sflag:s7] =	ssyncset.done $0x0;
	v19 =	vshrl.u32 v19, $0x1;
	v20 =	vshrl.u32 v20, $0x1;
	v21 =	vshrl.u32 v21, $0x1  }
0x1c: {  	s9 =	simm.s32 $0x40;
	[sflag:s7] =	ssyncadd.s32 $0xFFFFB200;
	v13 =	vshrl.u32 v13, $0x1;
	v3 =	vshrl.u32 v3, $0x5;
	v5 =	vadd.s32 v5, v16  }
0x1d: {  	v51 =	vld [tilespmem:s9+$0xFFFFFFC0];
	v7 =	vadd.s32 v7, v18;
	v9 =	vadd.s32 v9, v19;
	v11 =	vadd.s32 v11, v20  }
0x1e: {  	v13 =	vadd.s32 v14, v13;
	v3 =	vmul.u32 $0x27, v3;
	v5 =	vshrl.u32 v5, $0x5  }
0x1f: {  	v14 =	vadd.s32 v17, v21;
	v7 =	vshrl.u32 v7, $0x5;
	v9 =	vshrl.u32 v9, $0x5  }
0x20: {  	v11 =	vshrl.u32 v11, $0x5;
	v5 =	vmul.u32 $0x27, v5;
	v13 =	vshrl.u32 v13, $0x5  }
0x21: {  	v14 =	vshrl.u32 v14, $0x5;
	v7 =	vmul.u32 $0x27, v7;
	v9 =	vmul.u32 $0x27, v9  }
0x22: {  	v11 =	vmul.u32 $0x27, v11;
	vm1 =	vge.f32 v51, $0.0e+00;
	v1 =	vsub.s32 v1, v3  }
0x23: {  	v3 =	vmul.u32 $0x27, v13;
	v13 =	vmul.u32 $0x27, v14;
	vm4 =	vgt.u32 v1, $0xC  }
0x24: {  	v1 =	vsub.s32 v4, v5;
	v4 =	vsub.s32 v6, v7;
	v5 =	vld [tilespmem:s9+$0xFFFFFFD0];
	v6 =	vsub.s32 v8, v9  }
0x25: {  	v7 =	vsub.s32 v10, v11;
	v8 =	vtrunc.f32 v51;
	v3 =	vsub.s32 v12, v3  }
0x26: {  	vm5 =	vgt.u32 v1, $0xC;
	vm0 =	veq.f32 v51, v8;
	v1 =	vld [tilespmem:s9+$0xFFFFFFE0];
	vm3 =	vgt.u32 v4, $0xC  }
0x27: {  	v4 =	vadd.f32 $1.000000000e+00, v51;
	vm0 =	vmand vm1, vm0;
	vm1 =	vle.f32 v51, $1.500000000e+01  }
0x28: {  	v8 =	vsub.s32 v15, v13;
	vm2 =	vgt.u32 v6, $0xC;
	vm1 =	vmand vm1, vm0  }
0x29: {  	vm0 =	vgt.u32 v7, $0xC;
	v4 =	vnsel vm1, $0x0, v4;
	v6 =	vtrunc.f32 v5  }
0x2a: {  	vm6 =	vge.f32 v5, $0.0e+00;
	vm7 =	vle.f32 v5, $1.500000000e+01;
	v10 =	vsel vm4, v4, v51  }
0x2b: {  	vm1 =	veq.f32 v5, v6;
	v6 =	vld [tilespmem:s9+$0x0];
	v7 =	vtrunc.f32 v1;
	vm8 =	vge.f32 v1, $0.0e+00  }
0x2c: {  	[tilespmem:s9+$0xFFFFFFC0] =	vst v10;
	v10 =	vshrl.u32 v61, $0x1;
	vm1 =	vmand vm6, vm1;
	vm14 =	veq.f32 v1, v7  }
0x2d: {  	v7 =	vld [tilespmem:s9+$0x10];
	vm6 =	vmand vm7, vm1;
	vm1 =	vgt.u32 v3, $0xC;
	v3 =	vadd.f32 $1.000000000e+00, v5  }
0x2e: {  	vm15 =	vle.f32 v1, $1.500000000e+01;
	v9 =	vadd.f32 $1.000000000e+00, v1;
	v10 =	vadd.s32 v26, v10  }
0x2f: {  	vm7 =	vmand vm8, vm14;
	v10 =	vshrl.u32 v10, $0x5;
	v3 =	vnsel vm6, $0x0, v3  }
0x30: {  	vm4 =	vmand vm15, vm7;
	v4 =	vtrunc.f32 v6;
	v5 =	vsel vm5, v3, v5  }
0x31: {  	v3 =	vnsel vm4, $0x0, v9;
	vm5 =	vge.f32 v6, $0.0e+00;
	vm11 =	vle.f32 v6, $1.500000000e+01  }
0x32: {  	v11 =	vadd.f32 $1.000000000e+00, v6;
	vm4 =	veq.f32 v6, v4;
	v4 =	vld [tilespmem:s9+$0x20];
	v9 =	vtrunc.f32 v7  }
0x33: {  	vm12 =	vge.f32 v7, $0.0e+00;
	vm13 =	vle.f32 v7, $1.500000000e+01;
	vm4 =	vmand vm5, vm4  }
0x34: {  	v12 =	vadd.f32 $1.000000000e+00, v7;
	vm5 =	veq.f32 v7, v9;
	v9 =	vld [tilespmem:s9+$0x30];
	vm4 =	vmand vm11, vm4  }
0x35: {  	v13 =	vsel vm3, v3, v1;
	vm5 =	vmand vm12, vm5;
	v1 =	vnsel vm4, $0x0, v11  }
0x36: {  	v10 =	vmul.u32 $0x27, v10;
	vm3 =	vmand vm13, vm5;
	v6 =	vsel vm2, v1, v6  }
0x37: {  	v11 =	vnsel vm3, $0x0, v12;
	v3 =	vtrunc.f32 v4;
	vm3 =	vge.f32 v4, $0.0e+00  }
0x38: {  	v1 =	vld [tilespmem:s9+$0xFFFFFFF0];
	vm4 =	vle.f32 v4, $1.500000000e+01;
	v7 =	vsel vm0, v11, v7;
	v11 =	vmulhi.u32 $0xA41A41A5, v2  }
0x39: {  	[tilespmem:s9+$0x0] =	vst v6;
	v6 =	vsub.s32 v24, v10;
	vm2 =	veq.f32 v4, v3;
	v3 =	vtrunc.f32 v9  }
0x3a: {  	vm2 =	vmand vm3, vm2;
	vm3 =	veq.f32 v9, v3;
	v3 =	vadd.f32 $1.000000000e+00, v4  }
0x3b: {  	vm5 =	vge.f32 v9, $0.0e+00;
	v12 =	vadd.f32 $1.000000000e+00, v9;
	vm2 =	vmand vm4, vm2  }
0x3c: {  	vm3 =	vmand vm5, vm3;
	vm4 =	vle.f32 v9, $1.500000000e+01;
	v3 =	vnsel vm2, $0x0, v3  }
0x3d: {  	vm0 =	vmand vm4, vm3;
	vm2 =	vgt.u32 v8, $0xC;
	v55 =	vadd.f32 $1.000000000e+00, v1  }
0x3e: {  	v8 =	vnsel vm0, $0x0, v12;
	v14 =	vsel vm1, v3, v4;
	v3 =	vsub.s32 v2, v11  }
0x3f: {  	s25 =	sadd.s32 $0x10, s24;
	v12 =	vtrunc.f32 v1;
	v8 =	vsel vm2, v8, v9;
	v3 =	vshrl.u32 v3, $0x1  }
0x40: {  	vm1 =	veq.f32 v1, v12;
	v12 =	vor.u32 s25, v0;
	v3 =	vadd.s32 v11, v3  }
0x41: {  	v9 =	vor.u32 s24, v0;
	v15 =	vmulhi.u32 $0xA41A41A5, v12;
	v3 =	vshrl.u32 v3, $0x5  }
0x42: {  	vm2 =	vge.f32 v1, $0.0e+00;
	v11 =	vmulhi.u32 $0xA41A41A5, v9;
	v3 =	vmul.u32 $0x27, v3  }
0x43: {  	vm0 =	vle.f32 v1, $1.500000000e+01;
	vm1 =	vmand vm2, vm1;
	v25 =	vsub.s32 v12, v15  }
0x44: {  	v25 =	vshrl.u32 v25, $0x1;
	v4 =	vsub.s32 v2, v3;
	v2 =	vsub.s32 v9, v11  }
0x45: {  	v3 =	vmulhi.u32 $0xA41A41A5, v23;
	v15 =	vadd.s32 v15, v25;
	v25 =	vshrl.u32 v58, $0x1  }
0x46: {  	vm0 =	vmand vm0, vm1;
	v2 =	vshrl.u32 v2, $0x1;
	v20 =	vadd.s32 v56, v25  }
0x47: {  	v11 =	vadd.s32 v11, v2;
	v2 =	vsub.s32 v52, v53;
	v59 =	vsub.s32 v23, v3  }
0x48: {  	v2 =	vshrl.u32 v2, $0x1;
	v25 =	vshrl.u32 v59, $0x1;
	v11 =	vshrl.u32 v11, $0x5  }
0x49: {  	s10 =	sadd.s32 $0x30, s24;
	v17 =	vadd.s32 v53, v2;
	v2 =	vsub.s32 v57, v22;
	v60 =	vadd.s32 v3, v25  }
0x4a: {  	[tilespmem:s9+$0xFFFFFFD0] =	vst v5;
	v3 =	vor.u32 s10, v0;
	v5 =	vmul.u32 $0x27, v11;
	v11 =	vshrl.u32 v15, $0x5  }
0x4b: {  	[tilespmem:s9+$0xFFFFFFE0] =	vst v13;
	v15 =	vshrl.u32 v20, $0x5;
	s10 =	simm.s32 $0xC0;
	v2 =	vshrl.u32 v2, $0x1;
	v13 =	vshrl.u32 v17, $0x5  }
0x4c: {  	v63 =	vld [tilespmem:s10+$0xFFFFFFC0];
	v11 =	vmul.u32 $0x27, v11;
	v19 =	vshrl.u32 v60, $0x5;
	v15 =	vmul.u32 $0x27, v15  }
0x4d: {  	v22 =	vadd.s32 v22, v2;
	v2 =	vnsel vm0, $0x0, v55;
	v13 =	vmul.u32 $0x27, v13  }
0x4e: {  	v5 =	vsub.s32 v9, v5;
	v9 =	vmul.u32 $0x27, v19;
	v62 =	vshrl.u32 v22, $0x5  }
0x4f: {  	vm4 =	vgt.u32 v5, $0xC;
	v5 =	vsub.s32 v12, v11;
	v12 =	vld [tilespmem:s10+$0xFFFFFFD0];
	v17 =	vmul.u32 $0x27, v62  }
0x50: {  	v11 =	vsub.s32 v52, v13;
	v13 =	vsub.s32 v54, v15;
	v9 =	vsub.s32 v23, v9  }
0x51: {  	[tilespmem:s9+$0x10] =	vst v7;
	vm5 =	vgt.u32 v5, $0xC;
	vm2 =	vgt.u32 v11, $0xC;
	v7 =	vtrunc.f32 v63  }
0x52: {  	vm3 =	vgt.u32 v13, $0xC;
	vm1 =	vge.f32 v63, $0.0e+00;
	vm0 =	veq.f32 v63, v7;
	v7 =	vld [tilespmem:s10+$0xFFFFFFE0]  }
0x53: {  	v5 =	vadd.f32 $1.000000000e+00, v63;
	vm0 =	vmand vm1, vm0;
	vm1 =	vle.f32 v63, $1.500000000e+01  }
0x54: {  	[tilespmem:s9+$0x20] =	vst v14;
	v15 =	vsub.s32 v57, v17;
	vm15 =	vge.f32 v12, $0.0e+00;
	vm0 =	vmand vm1, vm0  }
0x55: {  	[tilespmem:s9+$0x30] =	vst v8;
	vm12 =	vle.f32 v12, $1.500000000e+01;
	v8 =	vnsel vm0, $0x0, v5;
	v5 =	vtrunc.f32 v12  }
0x56: {  	v10 =	vld [tilespmem:s10+$0x0];
	vm0 =	vgt.u32 v9, $0xC;
	v9 =	vadd.f32 $1.000000000e+00, v12;
	vm14 =	veq.f32 v12, v5  }
0x57: {  	v11 =	vsel vm4, v8, v63;
	vm6 =	vmand vm15, vm14;
	v5 =	vtrunc.f32 v7  }
0x58: {  	v8 =	vld [tilespmem:s10+$0x10];
	vm14 =	vge.f32 v7, $0.0e+00;
	vm15 =	vle.f32 v7, $1.500000000e+01;
	vm13 =	veq.f32 v7, v5  }
0x59: {  	v13 =	vadd.f32 $1.000000000e+00, v7;
	vm6 =	vmand vm12, vm6;
	vm7 =	vmand vm14, vm13  }
0x5a: {  	vm1 =	vgt.u32 v15, $0xC;
	v9 =	vnsel vm6, $0x0, v9;
	vm4 =	vmand vm15, vm7  }
0x5b: {  	s11 =	simm.s32 $0x100;
	v5 =	vld [tilespmem:s10+$0xFFFFFFF0];
	v9 =	vsel vm5, v9, v12;
	v12 =	vnsel vm4, $0x0, v13;
	v13 =	vtrunc.f32 v10  }
.LBB2_2:
0x5c: {  	p0 =	sne.s32 s11, $0x4D80;
	vm4 =	veq.f32 v10, v13;
	vm5 =	vge.f32 v10, $0.0e+00;
	vm6 =	vle.f32 v10, $1.500000000e+01;
	v13 =	vld [tilespmem:s10+$0x20]  }
0x5d: {  	v14 =	vadd.f32 $1.000000000e+00, v10;
	vm4 =	vmand vm5, vm4;
	v15 =	vtrunc.f32 v8  }
0x5e: {  	vm4 =	vmand vm6, vm4;
	vm5 =	veq.f32 v8, v15;
	vm6 =	vge.f32 v8, $0.0e+00;
	v15 =	vld [tilespmem:s10+$0x30]  }
0x5f: {  	v16 =	vadd.f32 $1.000000000e+00, v8;
	vm5 =	vmand vm6, vm5;
	vm6 =	vle.f32 v8, $1.500000000e+01  }
0x60: {  	v7 =	vsel vm2, v12, v7;
	v12 =	vnsel vm4, $0x0, v14;
	vm2 =	vmand vm6, vm5  }
0x61: {  	v10 =	vsel vm3, v12, v10;
	v12 =	vnsel vm2, $0x0, v16;
	v14 =	vtrunc.f32 v13  }
0x62: {  	vm3 =	vge.f32 v13, $0.0e+00;
	vm4 =	vle.f32 v13, $1.500000000e+01;
	vm2 =	veq.f32 v13, v14  }
0x63: {  	[tilespmem:s10+$0xFFFFFFC0] =	vst v11;
	vm2 =	vmand vm3, vm2;
	v11 =	vadd.f32 $1.000000000e+00, v13;
	v14 =	vtrunc.f32 v15  }
0x64: {  	[tilespmem:s10+$0xFFFFFFD0] =	vst v9;
	vm2 =	vmand vm4, vm2;
	vm3 =	veq.f32 v15, v14;
	vm4 =	vge.f32 v15, $0.0e+00  }
0x65: {  	[tilespmem:s10+$0xFFFFFFE0] =	vst v7;
	vm3 =	vmand vm4, vm3;
	vm4 =	vle.f32 v15, $1.500000000e+01;
	v7 =	vadd.f32 $1.000000000e+00, v15  }
0x66: {  	v8 =	vsel vm1, v12, v8;
	v9 =	vnsel vm2, $0x0, v11;
	[tilespmem:s10+$0x0] =	vst v10;
	vm1 =	vmand vm4, vm3  }
0x67: {  	[tilespmem:s10+$0x10] =	vst v8;
	v8 =	vsel vm0, v9, v13;
	vm0 =	vgt.u32 v6, $0xC;
	v6 =	vnsel vm1, $0x0, v7  }
0x68: {  	v7 =	vmulhi.u32 $0xA41A41A5, v3;
	v9 =	vtrunc.f32 v5;
	[tilespmem:s10+$0x20] =	vst v8;
	v6 =	vsel vm0, v6, v15  }
0x69: {  	vm2 =	vle.f32 v5, $1.500000000e+01;
	vm1 =	vge.f32 v5, $0.0e+00;
	vm0 =	veq.f32 v5, v9;
	[tilespmem:s10+$0x30] =	vst v6  }
0x6a: {  	v8 =	vadd.f32 $1.000000000e+00, v5;
	v6 =	vsub.s32 v3, v7;
	vm0 =	vmand vm1, vm0  }
0x6b: {  	s12 =	sadd.s32 s11, s6;
	vm1 =	vgt.u32 v4, $0xC;
	v6 =	vshrl.u32 v6, $0x1;
	vm0 =	vmand vm2, vm0  }
0x6c: {  	s13 =	sadd.s32 $0x10, s12;
	s14 =	sadd.s32 $0x30, s12;
	v9 =	vor.u32 s12, v0;
	v4 =	vadd.s32 v7, v6;
	v6 =	vnsel vm0, $0x0, v8  }
0x6d: {  	v10 =	vor.u32 s14, v0;
	v7 =	vmulhi.u32 $0xA41A41A5, v9;
	v8 =	vor.u32 s13, v0;
	s13 =	sadd.s32 $0x20, s12  }
0x6e: {  	v11 =	vmulhi.u32 $0xA41A41A5, v8;
	v12 =	vor.u32 s13, v0;
	s13 =	sadd.s32 $0x40, s12;
	v4 =	vshrl.u32 v4, $0x5  }
0x6f: {  	v13 =	vmulhi.u32 $0xA41A41A5, v12;
	v14 =	vor.u32 s13, v0;
	s13 =	sadd.s32 $0x50, s12;
	v4 =	vmul.u32 $0x27, v4  }
0x70: {  	v17 =	vsel vm1, v2, v1;
	v1 =	vmovc v5;
	v2 =	vmovc v6;
	v15 =	vmulhi.u32 $0xA41A41A5, v14;
	v16 =	vor.u32 s13, v0;
	s13 =	sadd.s32 $0x60, s12  }
0x71: {  	s12 =	sadd.s32 $0x70, s12;
	v5 =	vmulhi.u32 $0xA41A41A5, v16;
	v6 =	vor.u32 s13, v0;
	v4 =	vsub.s32 v3, v4;
	v3 =	vmovc v10;
	[tilespmem:s9+$0xFFFFFFF0] =	vst v17;
	s9 =	smov.u32 s10  }
0x72: {  	v10 =	vsub.s32 v9, v7;
	v18 =	vor.u32 s12, v0;
	v17 =	vmulhi.u32 $0xA41A41A5, v6  }
0x73: {  	v19 =	vsub.s32 v8, v11;
	v10 =	vshrl.u32 v10, $0x1;
	v20 =	vmulhi.u32 $0xA41A41A5, v18  }
0x74: {  	v21 =	vsub.s32 v12, v13;
	v22 =	vsub.s32 v14, v15;
	v23 =	vsub.s32 v16, v5  }
0x75: {  	v7 =	vadd.s32 v7, v10;
	v24 =	vsub.s32 v18, v20;
	v10 =	vsub.s32 v6, v17  }
0x76: {  	v19 =	vshrl.u32 v19, $0x1;
	v21 =	vshrl.u32 v21, $0x1;
	v22 =	vshrl.u32 v22, $0x1  }
0x77: {  	v23 =	vshrl.u32 v23, $0x1;
	v24 =	vshrl.u32 v24, $0x1;
	v10 =	vshrl.u32 v10, $0x1  }
0x78: {  	v11 =	vadd.s32 v11, v19;
	v13 =	vadd.s32 v13, v21;
	v7 =	vshrl.u32 v7, $0x5  }
0x79: {  	v15 =	vadd.s32 v15, v22;
	v5 =	vadd.s32 v5, v23;
	v10 =	vadd.s32 v17, v10  }
0x7a: {  	v11 =	vshrl.u32 v11, $0x5;
	v7 =	vmul.u32 $0x27, v7;
	v17 =	vadd.s32 v20, v24  }
0x7b: {  	s10 =	sadd.s32 $0x80, s10;
	v13 =	vshrl.u32 v13, $0x5;
	v15 =	vshrl.u32 v15, $0x5;
	v19 =	vshrl.u32 v5, $0x5  }
0x7c: {  	v11 =	vmul.u32 $0x27, v11;
	v10 =	vshrl.u32 v10, $0x5;
	v17 =	vshrl.u32 v17, $0x5;
	v20 =	vld [tilespmem:s10+$0xFFFFFFC0]  }
0x7d: {  	v13 =	vmul.u32 $0x27, v13;
	v15 =	vmul.u32 $0x27, v15;
	v19 =	vmul.u32 $0x27, v19;
	v5 =	vld [tilespmem:s10+$0xFFFFFFF0]  }
0x7e: {  	v7 =	vsub.s32 v9, v7;
	v9 =	vmul.u32 $0x27, v10;
	v10 =	vmul.u32 $0x27, v17  }
0x7f: {  	vm4 =	vgt.u32 v7, $0xC;
	v7 =	vsub.s32 v8, v11;
	v8 =	vsub.s32 v12, v13  }
0x80: {  	v11 =	vsub.s32 v14, v15;
	v13 =	vsub.s32 v16, v19;
	v9 =	vsub.s32 v6, v9;
	v12 =	vld [tilespmem:s10+$0xFFFFFFD0]  }
0x81: {  	vm5 =	vgt.u32 v7, $0xC;
	v6 =	vsub.s32 v18, v10;
	v14 =	vtrunc.f32 v20  }
0x82: {  	vm2 =	vgt.u32 v8, $0xC;
	vm1 =	vge.f32 v20, $0.0e+00;
	vm0 =	veq.f32 v20, v14;
	v7 =	vld [tilespmem:s10+$0xFFFFFFE0]  }
0x83: {  	v8 =	vadd.f32 $1.000000000e+00, v20;
	vm0 =	vmand vm1, vm0;
	vm1 =	vle.f32 v20, $1.500000000e+01  }
0x84: {  	vm3 =	vgt.u32 v11, $0xC;
	vm0 =	vmand vm1, vm0;
	vm1 =	vgt.u32 v13, $0xC  }
0x85: {  	v11 =	vnsel vm0, $0x0, v8;
	v8 =	vtrunc.f32 v12;
	vm0 =	vgt.u32 v9, $0xC  }
0x86: {  	vm7 =	vge.f32 v12, $0.0e+00;
	vm8 =	vle.f32 v12, $1.500000000e+01;
	vm6 =	veq.f32 v12, v8;
	v10 =	vld [tilespmem:s10+$0x0]  }
.Ltmp0:
0x87: {  	v9 =	vadd.f32 $1.000000000e+00, v12;
	vm6 =	vmand vm7, vm6;
	v8 =	vtrunc.f32 v7;
	(pc) =	sbr.rel @p0 .LBB2_2-.Ltmp0, $4  }
0x88: {  	vm6 =	vmand vm8, vm6;
	vm7 =	veq.f32 v7, v8;
	vm8 =	vge.f32 v7, $0.0e+00;
	v8 =	vld [tilespmem:s10+$0x10]  }
0x89: {  	v13 =	vadd.f32 $1.000000000e+00, v7;
	vm7 =	vmand vm8, vm7;
	vm8 =	vle.f32 v7, $1.500000000e+01  }
0x8a: {  	v11 =	vsel vm4, v11, v20;
	v9 =	vnsel vm6, $0x0, v9;
	vm4 =	vmand vm8, vm7  }
0x8b: {  	s11 =	sadd.s32 $0x80, s11;
	v9 =	vsel vm5, v9, v12;
	v12 =	vnsel vm4, $0x0, v13;
	v13 =	vtrunc.f32 v10  }
0x8c: {  	vm4 =	veq.f32 v10, v13  }
0x8d: {  	vm5 =	vge.f32 v10, $0.0e+00;
	vm6 =	vle.f32 v10, $1.500000000e+01;
	v45 =	vadd.f32 $1.000000000e+00, v10  }
0x8e: {  	v7 =	vsel vm2, v12, v7;
	v52 =	vmulhi.u32 $0xA41A41A5, v3;
	v60 =	vtrunc.f32 v5  }
0x8f: {  	v44 =	vld [tilespmem:s10+$0x20];
	v62 =	vadd.f32 $1.000000000e+00, v5;
	v14 =	vtrunc.f32 v8;
	vm4 =	vmand vm5, vm4  }
0x90: {  	v15 =	vld [tilespmem:s10+$0x30];
	vm7 =	vge.f32 v8, $0.0e+00;
	vm9 =	vle.f32 v8, $1.500000000e+01;
	v16 =	vadd.f32 $1.000000000e+00, v8  }
0x91: {  	vm15 =	veq.f32 v8, v14;
	vm4 =	vmand vm6, vm4;
	v55 =	vsub.s32 v3, v52  }
0x92: {  	vm5 =	vmand vm7, vm15;
	v46 =	vnsel vm4, $0x0, v45;
	v57 =	vshrl.u32 v55, $0x1  }
0x93: {  	vm10 =	vmand vm9, vm5;
	v48 =	vsel vm3, v46, v10;
	v59 =	vadd.s32 v52, v57  }
0x94: {  	v47 =	vtrunc.f32 v44;
	vm12 =	vge.f32 v44, $0.0e+00;
	v49 =	vnsel vm10, $0x0, v16  }
0x95: {  	vm13 =	vle.f32 v44, $1.500000000e+01;
	v50 =	vadd.f32 $1.000000000e+00, v44;
	v51 =	vtrunc.f32 v15  }
0x96: {  	vm15 =	vge.f32 v15, $0.0e+00;
	vm8 =	vle.f32 v15, $1.500000000e+01;
	v17 =	vadd.f32 $1.000000000e+00, v15  }
0x97: {  	[tilespmem:s10+$0xFFFFFFD0] =	vst v9;
	vm10 =	vgt.u32 v6, $0xC;
	v9 =	vshrl.u32 v59, $0x5;
	vm11 =	veq.f32 v44, v47  }
0x98: {  	vm14 =	veq.f32 v15, v51;
	v53 =	vsel vm1, v49, v8;
	v61 =	vmul.u32 $0x27, v9  }
0x99: {  	[tilespmem:s10+$0xFFFFFFC0] =	vst v11;
	vm3 =	vmand vm12, vm11;
	vm11 =	veq.f32 v5, v60;
	vm12 =	vge.f32 v5, $0.0e+00  }
0x9a: {  	[tilespmem:s10+$0xFFFFFFE0] =	vst v7;
	vm2 =	vmand vm13, vm3;
	vm3 =	vmand vm15, vm14;
	vm13 =	vle.f32 v5, $1.500000000e+01  }
0x9b: {  	[tilespmem:s10+$0x0] =	vst v48;
	vm14 =	vgt.u32 v4, $0xC;
	v54 =	vnsel vm2, $0x0, v50;
	vm9 =	vmand vm8, vm3  }
0x9c: {  	[tilespmem:s10+$0x10] =	vst v53;
	v56 =	vsel vm0, v54, v44;
	v58 =	vnsel vm9, $0x0, v17;
	vm0 =	vmand vm12, vm11  }
0x9d: {  	v3 =	vsub.s32 v3, v61;
	v6 =	vsel vm10, v58, v15;
	[tilespmem:s10+$0x20] =	vst v56;
	vm0 =	vmand vm13, vm0  }
0x9e: {  	s8 =	sadd.s32 $0x1, s8;
	v1 =	vsel vm14, v2, v1;
	vm15 =	vgt.u32 v3, $0xC;
	[tilespmem:s10+$0x30] =	vst v6;
	v63 =	vnsel vm0, $0x0, v62  }
0x9f: {  	p0 =	sne.s32 s8, s5;
	[tilespmem:s9+$0xFFFFFFF0] =	vst v1;
	v1 =	vsel vm15, v63, v5  }
.Ltmp1:
0xa0: {  	[tilespmem:s10+$0xFFFFFFF0] =	vst v1;
	(pc) =	sbr.rel @p0 .LBB2_1-.Ltmp1, $4  }
0xa1: {  	[hbm4b:s4+s2] =	stream.linear.scatter [tilespmem:s2], [sflag:$0x1], $0x4E00, $0x38;
	[tilespmem:$0x4E00] =	vst v63  }
0xa2: {  	_ =	swait.ge [sflag:s7], $0x4E00  }
0xa3: {  	[sflag:s7] =	ssyncset.done $0x0  }
0xa4: {  	[sflag:s7] =	ssyncadd.s32 $0xFFFFB200  }
0xa5: {  	_ =	sfence.sel $0x180000  }
0xa6: {  	[bflag:$0x0] =	sbarrier.arrive $0xFFFF  }
0xa7: {  	p0 =	sne.s32 s0, $0x0;
	_ =	strace $0x90000047  }
0xa8: {  	s0 =	sadd.s32 @!p0 $0x100000, s1;
	[bflag:$0x2] =	sbarrier.arrive $0xFFFF  }
0xa9: {  	[sflag:s0] =	ssyncadd.tile.s32 @!p0 $0x1;
	_ =	shalt  }
.Lfunc_end2:
_tile_overlayer_lowered:
.L_overlay_start_2:
0xaa: {  	(tag) =	ssettag $0x2  }
0xab: {  	s0 =	rddreg [dreg:$0x0];
	s2 =	stileid.u32  }
0xac: {  	s1 =	rddreg [dreg:$0x1];
	p0 =	sne.s32 s2, $0x0  }
0xad: {  	s3 =	rddreg [dreg:$0x2];
	[bflag:$0x3] =	sbarrier.arrive $0xFFFF;
	s2 =	simm.s32 @!p0 $0x1C01  }
0xae: {  	[timem:s3], [sflag:s2] =	dma.local @!p0 [hbm:s0], s1  }
0xaf: {  	s0 =	simm.s32 @!p0 $0x1  }
0xb0: {  	_ =	swait.ge @!p0 [sflag:s0], s1  }
0xb1: {  	s1 =	ssub.s32 @!p0 $0x0, s1;
	[sflag:s0] =	ssyncset.done @!p0 $0x0  }
0xb2: {  	[sflag:s0] =	ssyncadd.s32 @!p0 s1  }
0xb3: {  	[bflag:$0x3] =	sbarrier.arrive $0xFFFF  }
0xb4: {  	_ =	shalt  }

</sc_bundles>
